<compile_context>
chip_gen: v7x
topology: tpu7x:2x2x1
jax: 0.10.2.dev20260603
libtpu: 0.0.44.dev20260713+nightly
codegen_flags: <defaults>
</compile_context>

<pallas_src>
import jax
import jax.numpy as jnp
from jax import lax
from jax.experimental import pallas as pl
from jax.experimental.pallas import tpu as pltpu
from jax.experimental.pallas import tpu_sc as plsc

N_ROWS = 16384
N_COLS = 512
N_IDX = 128
LANES = 16

SC_ROWS = 4096
TC_ROWS = N_ROWS - SC_ROWS
TC_BLK = 2048

NUM_CORES = 2
NUM_SUBCORES = 16
NUM_WORKERS = NUM_CORES * NUM_SUBCORES
ROWS_PER_WORKER = SC_ROWS // NUM_WORKERS
CHUNK_ROWS = 64
NUM_CHUNKS = ROWS_PER_WORKER // CHUNK_ROWS
IDX_GROUPS = N_IDX // LANES
NBUF = 2


def _body(in_hbm, idx_hbm, out_hbm, idx_v, in_bufs, out_bufs, sem_idx, sem_is, sem_os):
    wid = lax.axis_index("s") * NUM_CORES + lax.axis_index("c")
    row0 = wid * ROWS_PER_WORKER

    idx_copy = pltpu.async_copy(idx_hbm, idx_v, sem_idx)

    def in_slice(ch):
        return in_hbm.at[pl.ds(row0 + ch * CHUNK_ROWS, CHUNK_ROWS)]

    def out_slice(ch):
        return out_hbm.at[pl.ds(row0 + ch * CHUNK_ROWS, CHUNK_ROWS)]

    for ch in range(NBUF - 1):
        pltpu.async_copy(in_slice(ch), in_bufs[ch], sem_is[ch])

    idx_copy.wait()
    idx_groups = [idx_v[pl.ds(g * LANES, LANES)] for g in range(IDX_GROUPS)]

    @pl.loop(0, NUM_CHUNKS, step=NBUF)
    def _chunk(ch0):
        for b in range(NBUF):
            ch = ch0 + b

            @pl.when(ch + NBUF - 1 < NUM_CHUNKS)
            def _():
                nb = (b + NBUF - 1) % NBUF
                pltpu.async_copy(in_slice(ch + NBUF - 1), in_bufs[nb], sem_is[nb])

            pltpu.make_async_copy(in_slice(0), in_bufs[b], sem_is[b]).wait()

            @pl.when(ch >= NBUF)
            def _():
                pltpu.make_async_copy(out_bufs[b], out_slice(0), sem_os[b]).wait()

            @pl.loop(0, CHUNK_ROWS, unroll=2)
            def _gather(r):
                rowv = jnp.full((LANES,), r, dtype=jnp.int32)
                for g in range(IDX_GROUPS):
                    out_bufs[b][r, pl.ds(g * LANES, LANES)] = plsc.load_gather(
                        in_bufs[b], [rowv, idx_groups[g]]
                    )

            pltpu.async_copy(out_bufs[b], out_slice(ch), sem_os[b])

    for b in range(NBUF):
        pltpu.make_async_copy(out_bufs[b], out_slice(0), sem_os[b]).wait()


def _tc_body(idx_ref, in_ref, out_ref):
    col = lax.broadcasted_iota(jnp.int32, (N_COLS, N_IDX), 0)
    onehot = (col == idx_ref[0, :][None, :]).astype(jnp.float32)
    out_ref[...] = jnp.dot(
        in_ref[...], onehot, preferred_element_type=jnp.float32
    )


def _tc_gather(input, indexes2d):
    return pl.pallas_call(
        _tc_body,
        grid=(TC_ROWS // TC_BLK,),
        in_specs=[
            pl.BlockSpec((1, N_IDX), lambda i: (0, 0)),
            pl.BlockSpec((TC_BLK, N_COLS), lambda i: (i + SC_ROWS // TC_BLK, 0)),
        ],
        out_specs=pl.BlockSpec((TC_BLK, N_IDX), lambda i: (i + SC_ROWS // TC_BLK, 0)),
        out_shape=jax.ShapeDtypeStruct((N_ROWS, N_IDX), jnp.float32),
    )(indexes2d, input)


@jax.jit
def kernel(input, indexes):
    mesh = plsc.VectorSubcoreMesh(
        core_axis_name="c",
        subcore_axis_name="s",
        num_cores=NUM_CORES,
        num_subcores=NUM_SUBCORES,
    )
    run = pl.kernel(
        _body,
        out_type=jax.ShapeDtypeStruct((SC_ROWS, N_IDX), jnp.float32),
        mesh=mesh,
        scratch_types=[
            pltpu.VMEM((N_IDX,), jnp.int32),
            [pltpu.VMEM((CHUNK_ROWS, N_COLS), jnp.float32) for _ in range(NBUF)],
            [pltpu.VMEM((CHUNK_ROWS, N_IDX), jnp.float32) for _ in range(NBUF)],
            pltpu.SemaphoreType.DMA,
            [pltpu.SemaphoreType.DMA for _ in range(NBUF)],
            [pltpu.SemaphoreType.DMA for _ in range(NBUF)],
        ],
        compiler_params=pltpu.CompilerParams(
            use_tc_tiling_on_sc=True, needs_layout_passes=False
        ),
    )
    sc_out = run(input, indexes)
    tc_out = _tc_gather(input, indexes.reshape(1, N_IDX))
    return jax.lax.dynamic_update_slice(tc_out, sc_out, (0, 0))

# --- scband reference (transcript-rebuilt; emitter-appended) ---
"""Pipeline reference for scband-digital-mapper-eval-only-v2-48696339202282 (READ-ONLY COPY).

The authoritative reference and input builder live on the scoring server;
editing this copy changes nothing except your own understanding.
"""

import jax, jax.numpy as jnp
import numpy as np


def setup_inputs(seed: int = 0) -> dict:
    key = jax.random.key(seed)
    x = jax.random.normal(key, (16384, 512), dtype=jnp.float32)
    # indexes buffer from init_kwargs: (i*13+5) % 512 for i in range(128)
    indexes = jnp.array([(i * 13 + 5) % 512 for i in range(128)], dtype=jnp.int32)
    return {"input": x, "indexes": indexes}


def reference(input, indexes):
    # Faithful translation of: x = input[:, self.indexes]
    x = jnp.take(input, indexes, axis=1)
    return x

if __name__ == "__main__":
    import jax
    _d = setup_inputs()
    print(jax.jit(kernel)(*tuple(_d.values())))

</pallas_src>

<mosaic_0001>
#map = affine_map<(d0, d1) -> (0, 0)>
#map1 = affine_map<(d0, d1) -> (0)>
module attributes {stable_mosaic.version = 14 : i64} {
  func.func @_body(%arg0: i32, %arg1: i32, %arg2: memref<16384x512xf32, #tpu.memory_space<hbm>>, %arg3: memref<128xi32, #tpu.memory_space<hbm>>, %arg4: memref<4096x128xf32, #tpu.memory_space<hbm>>, %arg5: memref<128xi32, #tpu.memory_space<vmem>>, %arg6: memref<64x512xf32, #tpu.memory_space<vmem>>, %arg7: memref<64x512xf32, #tpu.memory_space<vmem>>, %arg8: memref<64x128xf32, #tpu.memory_space<vmem>>, %arg9: memref<64x128xf32, #tpu.memory_space<vmem>>, %arg10: memref<!tpu.dma_semaphore, #tpu.memory_space<semaphore_mem>>, %arg11: memref<!tpu.dma_semaphore, #tpu.memory_space<semaphore_mem>>, %arg12: memref<!tpu.dma_semaphore, #tpu.memory_space<semaphore_mem>>, %arg13: memref<!tpu.dma_semaphore, #tpu.memory_space<semaphore_mem>>, %arg14: memref<!tpu.dma_semaphore, #tpu.memory_space<semaphore_mem>>) attributes {dimension_semantics = [#tpu.dimension_semantics<core_parallel>, #tpu.dimension_semantics<subcore_parallel>], iteration_bounds = array<i64: 2, 16>, scalar_prefetch = 0 : i64, scratch_operands = 10 : i64, tpu.core_type = #tpu.core_type<sc_vector_subcore>, window_params = [{transform_indices = #map}, {transform_indices = #map1}, {transform_indices = #map}]} {
    %mul3A = arith.constant 2 : i32
    %mul3A_0 = arith.muli %arg1, %mul3A : i32
    %add3A = arith.addi %mul3A_0, %arg0 : i32
    %mul3A_1 = arith.constant 128 : i32
    %mul3A_2 = arith.muli %add3A, %mul3A_1 : i32
    tpu.enqueue_dma source(%arg3 : memref<128xi32, #tpu.memory_space<hbm>>) target(%arg5 : memref<128xi32, #tpu.memory_space<vmem>>) target_semaphore(%arg10 : memref<!tpu.dma_semaphore, #tpu.memory_space<semaphore_mem>>)
    %add3A_3 = arith.constant 0 : i32
    %add3A_4 = arith.addi %mul3A_2, %add3A_3 : i32
    %dma_start3A = arith.constant 0 : i32
    %dma_start3A_5 = tpu.memref_slice %arg2[%add3A_4, %dma_start3A] : memref<16384x512xf32, #tpu.memory_space<hbm>> -> memref<64x512xf32, #tpu.memory_space<hbm>>
    %dma_start3A_6 = arith.constant 0 : i32
    %dma_start3A_7 = tpu.memref_slice %arg2[%add3A_4, %dma_start3A_6] : memref<16384x512xf32, #tpu.memory_space<hbm>> -> memref<64x512xf32, #tpu.memory_space<hbm>>
    tpu.enqueue_dma source(%dma_start3A_7 : memref<64x512xf32, #tpu.memory_space<hbm>>) target(%arg6 : memref<64x512xf32, #tpu.memory_space<vmem>>) target_semaphore(%arg11 : memref<!tpu.dma_semaphore, #tpu.memory_space<semaphore_mem>>)
    tpu.wait_dma2 semaphore(%arg10 : memref<!tpu.dma_semaphore, #tpu.memory_space<semaphore_mem>>) src(%arg3 : memref<128xi32, #tpu.memory_space<hbm>>) dst(%arg5 : memref<128xi32, #tpu.memory_space<vmem>>)
    %get3A = arith.constant 0 : index
    %get3A_8 = tpu.vector_load %arg5[%get3A] {strides = array<i32>} : memref<128xi32, #tpu.memory_space<vmem>>, vector<16xi32>,
    %get3A_9 = arith.constant 16 : index
    %get3A_10 = tpu.vector_load %arg5[%get3A_9] {strides = array<i32>} : memref<128xi32, #tpu.memory_space<vmem>>, vector<16xi32>,
    %get3A_11 = arith.constant 32 : index
    %get3A_12 = tpu.vector_load %arg5[%get3A_11] {strides = array<i32>} : memref<128xi32, #tpu.memory_space<vmem>>, vector<16xi32>,
    %get3A_13 = arith.constant 48 : index
    %get3A_14 = tpu.vector_load %arg5[%get3A_13] {strides = array<i32>} : memref<128xi32, #tpu.memory_space<vmem>>, vector<16xi32>,
    %get3A_15 = arith.constant 64 : index
    %get3A_16 = tpu.vector_load %arg5[%get3A_15] {strides = array<i32>} : memref<128xi32, #tpu.memory_space<vmem>>, vector<16xi32>,
    %get3A_17 = arith.constant 80 : index
    %get3A_18 = tpu.vector_load %arg5[%get3A_17] {strides = array<i32>} : memref<128xi32, #tpu.memory_space<vmem>>, vector<16xi32>,
    %get3A_19 = arith.constant 96 : index
    %get3A_20 = tpu.vector_load %arg5[%get3A_19] {strides = array<i32>} : memref<128xi32, #tpu.memory_space<vmem>>, vector<16xi32>,
    %get3A_21 = arith.constant 112 : index
    %get3A_22 = tpu.vector_load %arg5[%get3A_21] {strides = array<i32>} : memref<128xi32, #tpu.memory_space<vmem>>, vector<16xi32>,
    %scan3A = arith.constant 0 : i32
    %mul3A_23 = arith.constant 2 : i32
    %mul3A_24 = arith.muli %scan3A, %mul3A_23 : i32
    %add3A_25 = arith.constant 0 : i32
    %add3A_26 = arith.addi %add3A_25, %mul3A_24 : i32
    %add3A_27 = arith.constant 0 : i32
    %add3A_28 = arith.addi %add3A_26, %add3A_27 : i32
    %add3A_29 = arith.constant 2 : i32
    %add3A_30 = arith.addi %add3A_28, %add3A_29 : i32
    %sub3A = arith.constant 1 : i32
    %sub3A_31 = arith.subi %add3A_30, %sub3A : i32
    %lt3A = arith.constant 2 : i32
    %lt3A_32 = arith.cmpi slt, %sub3A_31, %lt3A : i32
    %convert_element_type3A = arith.extui %lt3A_32 : i1 to i32
    %cond3A = arith.constant 0 : i32
    %cond3A_33 = arith.cmpi ne, %convert_element_type3A, %cond3A : i32
    scf.if %cond3A_33 {
      %add3A_102 = arith.constant 2 : i32
      %add3A_103 = arith.addi %add3A_28, %add3A_102 : i32
      %sub3A_104 = arith.constant 1 : i32
      %sub3A_105 = arith.subi %add3A_103, %sub3A_104 : i32
      %mul3A_106 = arith.constant 64 : i32
      %mul3A_107 = arith.muli %sub3A_105, %mul3A_106 : i32
      %add3A_108 = arith.addi %mul3A_2, %mul3A_107 : i32
      %dma_start3A_109 = arith.constant 0 : i32
      %dma_start3A_110 = tpu.memref_slice %arg2[%add3A_108, %dma_start3A_109] : memref<16384x512xf32, #tpu.memory_space<hbm>> -> memref<64x512xf32, #tpu.memory_space<hbm>>
      %dma_start3A_111 = arith.constant 0 : i32
      %dma_start3A_112 = tpu.memref_slice %arg2[%add3A_108, %dma_start3A_111] : memref<16384x512xf32, #tpu.memory_space<hbm>> -> memref<64x512xf32, #tpu.memory_space<hbm>>
      tpu.enqueue_dma source(%dma_start3A_112 : memref<64x512xf32, #tpu.memory_space<hbm>>) target(%arg7 : memref<64x512xf32, #tpu.memory_space<vmem>>) target_semaphore(%arg12 : memref<!tpu.dma_semaphore, #tpu.memory_space<semaphore_mem>>)
    } else {
    }
    %add3A_34 = arith.constant 0 : i32
    %add3A_35 = arith.addi %mul3A_2, %add3A_34 : i32
    %dma_wait3A = arith.constant 0 : i32
    %dma_wait3A_36 = tpu.memref_slice %arg2[%add3A_35, %dma_wait3A] : memref<16384x512xf32, #tpu.memory_space<hbm>> -> memref<64x512xf32, #tpu.memory_space<hbm>>
    %dma_wait3A_37 = arith.constant 0 : i32
    %dma_wait3A_38 = tpu.memref_slice %arg2[%add3A_35, %dma_wait3A_37] : memref<16384x512xf32, #tpu.memory_space<hbm>> -> memref<64x512xf32, #tpu.memory_space<hbm>>
    tpu.wait_dma2 semaphore(%arg11 : memref<!tpu.dma_semaphore, #tpu.memory_space<semaphore_mem>>) src(%dma_wait3A_38 : memref<64x512xf32, #tpu.memory_space<hbm>>) dst(%arg6 : memref<64x512xf32, #tpu.memory_space<vmem>>)
    %ge3A = arith.constant 2 : i32
    %ge3A_39 = arith.cmpi sge, %add3A_28, %ge3A : i32
    %convert_element_type3A_40 = arith.extui %ge3A_39 : i1 to i32
    %cond3A_41 = arith.constant 0 : i32
    %cond3A_42 = arith.cmpi ne, %convert_element_type3A_40, %cond3A_41 : i32
    scf.if %cond3A_42 {
      %add3A_102 = arith.constant 0 : i32
      %add3A_103 = arith.addi %mul3A_2, %add3A_102 : i32
      %dma_wait3A_104 = arith.constant 0 : i32
      %dma_wait3A_105 = tpu.memref_slice %arg4[%add3A_103, %dma_wait3A_104] : memref<4096x128xf32, #tpu.memory_space<hbm>> -> memref<64x128xf32, #tpu.memory_space<hbm>>
      %dma_wait3A_106 = arith.constant 0 : i32
      %dma_wait3A_107 = tpu.memref_slice %arg4[%add3A_103, %dma_wait3A_106] : memref<4096x128xf32, #tpu.memory_space<hbm>> -> memref<64x128xf32, #tpu.memory_space<hbm>>
      tpu.wait_dma2 semaphore(%arg13 : memref<!tpu.dma_semaphore, #tpu.memory_space<semaphore_mem>>) src(%arg8 : memref<64x128xf32, #tpu.memory_space<vmem>>) dst(%dma_wait3A_107 : memref<64x128xf32, #tpu.memory_space<hbm>>)
    } else {
    }
    %scan3A_43 = arith.constant 0 : i32
    %scan3A_44 = arith.constant 64 : i32
    %scan3A_45 = arith.addi %scan3A_43, %scan3A_44 : i32
    %scan3A_46 = arith.constant 2 : i32
    scf.for %scan3A_102 = %scan3A_43 to %scan3A_45 step %scan3A_46  : i32 {
      %mul3A_103 = arith.constant 1 : i32
      %mul3A_104 = arith.muli %scan3A_102, %mul3A_103 : i32
      %add3A_105 = arith.constant 0 : i32
      %add3A_106 = arith.addi %add3A_105, %mul3A_104 : i32
      %broadcast_in_dim3A = vector.broadcast %add3A_106 : i32 to vector<16xi32>
      %gather3A = tpu.vector_load_idx %arg6[%broadcast_in_dim3A, %get3A_8] : memref<64x512xf32, #tpu.memory_space<vmem>>[vector<16xi32>, vector<16xi32>], vector<16xf32>,
      %swap3A = arith.index_cast %add3A_106 : i32 to index
      %swap3A_107 = arith.constant 0 : index
      %swap3A_108 = tpu.vector_load %arg8[%swap3A, %swap3A_107] {strides = array<i32>} : memref<64x128xf32, #tpu.memory_space<vmem>>, vector<16xf32>,
      tpu.vector_store %arg8[%swap3A, %swap3A_107], %gather3A {strides = array<i32>} : memref<64x128xf32, #tpu.memory_space<vmem>>, vector<16xf32>,
      %gather3A_109 = tpu.vector_load_idx %arg6[%broadcast_in_dim3A, %get3A_10] : memref<64x512xf32, #tpu.memory_space<vmem>>[vector<16xi32>, vector<16xi32>], vector<16xf32>,
      %swap3A_110 = arith.index_cast %add3A_106 : i32 to index
      %swap3A_111 = arith.constant 16 : index
      %swap3A_112 = tpu.vector_load %arg8[%swap3A_110, %swap3A_111] {strides = array<i32>} : memref<64x128xf32, #tpu.memory_space<vmem>>, vector<16xf32>,
      tpu.vector_store %arg8[%swap3A_110, %swap3A_111], %gather3A_109 {strides = array<i32>} : memref<64x128xf32, #tpu.memory_space<vmem>>, vector<16xf32>,
      %gather3A_113 = tpu.vector_load_idx %arg6[%broadcast_in_dim3A, %get3A_12] : memref<64x512xf32, #tpu.memory_space<vmem>>[vector<16xi32>, vector<16xi32>], vector<16xf32>,
      %swap3A_114 = arith.index_cast %add3A_106 : i32 to index
      %swap3A_115 = arith.constant 32 : index
      %swap3A_116 = tpu.vector_load %arg8[%swap3A_114, %swap3A_115] {strides = array<i32>} : memref<64x128xf32, #tpu.memory_space<vmem>>, vector<16xf32>,
      tpu.vector_store %arg8[%swap3A_114, %swap3A_115], %gather3A_113 {strides = array<i32>} : memref<64x128xf32, #tpu.memory_space<vmem>>, vector<16xf32>,
      %gather3A_117 = tpu.vector_load_idx %arg6[%broadcast_in_dim3A, %get3A_14] : memref<64x512xf32, #tpu.memory_space<vmem>>[vector<16xi32>, vector<16xi32>], vector<16xf32>,
      %swap3A_118 = arith.index_cast %add3A_106 : i32 to index
      %swap3A_119 = arith.constant 48 : index
      %swap3A_120 = tpu.vector_load %arg8[%swap3A_118, %swap3A_119] {strides = array<i32>} : memref<64x128xf32, #tpu.memory_space<vmem>>, vector<16xf32>,
      tpu.vector_store %arg8[%swap3A_118, %swap3A_119], %gather3A_117 {strides = array<i32>} : memref<64x128xf32, #tpu.memory_space<vmem>>, vector<16xf32>,
      %gather3A_121 = tpu.vector_load_idx %arg6[%broadcast_in_dim3A, %get3A_16] : memref<64x512xf32, #tpu.memory_space<vmem>>[vector<16xi32>, vector<16xi32>], vector<16xf32>,
      %swap3A_122 = arith.index_cast %add3A_106 : i32 to index
      %swap3A_123 = arith.constant 64 : index
      %swap3A_124 = tpu.vector_load %arg8[%swap3A_122, %swap3A_123] {strides = array<i32>} : memref<64x128xf32, #tpu.memory_space<vmem>>, vector<16xf32>,
      tpu.vector_store %arg8[%swap3A_122, %swap3A_123], %gather3A_121 {strides = array<i32>} : memref<64x128xf32, #tpu.memory_space<vmem>>, vector<16xf32>,
      %gather3A_125 = tpu.vector_load_idx %arg6[%broadcast_in_dim3A, %get3A_18] : memref<64x512xf32, #tpu.memory_space<vmem>>[vector<16xi32>, vector<16xi32>], vector<16xf32>,
      %swap3A_126 = arith.index_cast %add3A_106 : i32 to index
      %swap3A_127 = arith.constant 80 : index
      %swap3A_128 = tpu.vector_load %arg8[%swap3A_126, %swap3A_127] {strides = array<i32>} : memref<64x128xf32, #tpu.memory_space<vmem>>, vector<16xf32>,
      tpu.vector_store %arg8[%swap3A_126, %swap3A_127], %gather3A_125 {strides = array<i32>} : memref<64x128xf32, #tpu.memory_space<vmem>>, vector<16xf32>,
      %gather3A_129 = tpu.vector_load_idx %arg6[%broadcast_in_dim3A, %get3A_20] : memref<64x512xf32, #tpu.memory_space<vmem>>[vector<16xi32>, vector<16xi32>], vector<16xf32>,
      %swap3A_130 = arith.index_cast %add3A_106 : i32 to index
      %swap3A_131 = arith.constant 96 : index
      %swap3A_132 = tpu.vector_load %arg8[%swap3A_130, %swap3A_131] {strides = array<i32>} : memref<64x128xf32, #tpu.memory_space<vmem>>, vector<16xf32>,
      tpu.vector_store %arg8[%swap3A_130, %swap3A_131], %gather3A_129 {strides = array<i32>} : memref<64x128xf32, #tpu.memory_space<vmem>>, vector<16xf32>,
      %gather3A_133 = tpu.vector_load_idx %arg6[%broadcast_in_dim3A, %get3A_22] : memref<64x512xf32, #tpu.memory_space<vmem>>[vector<16xi32>, vector<16xi32>], vector<16xf32>,
      %swap3A_134 = arith.index_cast %add3A_106 : i32 to index
      %swap3A_135 = arith.constant 112 : index
      %swap3A_136 = tpu.vector_load %arg8[%swap3A_134, %swap3A_135] {strides = array<i32>} : memref<64x128xf32, #tpu.memory_space<vmem>>, vector<16xf32>,
      tpu.vector_store %arg8[%swap3A_134, %swap3A_135], %gather3A_133 {strides = array<i32>} : memref<64x128xf32, #tpu.memory_space<vmem>>, vector<16xf32>,
      %scan3A_137 = arith.constant 1 : i32
      %scan3A_138 = arith.addi %scan3A_102, %scan3A_137 : i32
      %mul3A_139 = arith.constant 1 : i32
      %mul3A_140 = arith.muli %scan3A_138, %mul3A_139 : i32
      %add3A_141 = arith.constant 0 : i32
      %add3A_142 = arith.addi %add3A_141, %mul3A_140 : i32
      %broadcast_in_dim3A_143 = vector.broadcast %add3A_142 : i32 to vector<16xi32>
      %gather3A_144 = tpu.vector_load_idx %arg6[%broadcast_in_dim3A_143, %get3A_8] : memref<64x512xf32, #tpu.memory_space<vmem>>[vector<16xi32>, vector<16xi32>], vector<16xf32>,
      %swap3A_145 = arith.index_cast %add3A_142 : i32 to index
      %swap3A_146 = arith.constant 0 : index
      %swap3A_147 = tpu.vector_load %arg8[%swap3A_145, %swap3A_146] {strides = array<i32>} : memref<64x128xf32, #tpu.memory_space<vmem>>, vector<16xf32>,
      tpu.vector_store %arg8[%swap3A_145, %swap3A_146], %gather3A_144 {strides = array<i32>} : memref<64x128xf32, #tpu.memory_space<vmem>>, vector<16xf32>,
      %gather3A_148 = tpu.vector_load_idx %arg6[%broadcast_in_dim3A_143, %get3A_10] : memref<64x512xf32, #tpu.memory_space<vmem>>[vector<16xi32>, vector<16xi32>], vector<16xf32>,
      %swap3A_149 = arith.index_cast %add3A_142 : i32 to index
      %swap3A_150 = arith.constant 16 : index
      %swap3A_151 = tpu.vector_load %arg8[%swap3A_149, %swap3A_150] {strides = array<i32>} : memref<64x128xf32, #tpu.memory_space<vmem>>, vector<16xf32>,
      tpu.vector_store %arg8[%swap3A_149, %swap3A_150], %gather3A_148 {strides = array<i32>} : memref<64x128xf32, #tpu.memory_space<vmem>>, vector<16xf32>,
      %gather3A_152 = tpu.vector_load_idx %arg6[%broadcast_in_dim3A_143, %get3A_12] : memref<64x512xf32, #tpu.memory_space<vmem>>[vector<16xi32>, vector<16xi32>], vector<16xf32>,
      %swap3A_153 = arith.index_cast %add3A_142 : i32 to index
      %swap3A_154 = arith.constant 32 : index
      %swap3A_155 = tpu.vector_load %arg8[%swap3A_153, %swap3A_154] {strides = array<i32>} : memref<64x128xf32, #tpu.memory_space<vmem>>, vector<16xf32>,
      tpu.vector_store %arg8[%swap3A_153, %swap3A_154], %gather3A_152 {strides = array<i32>} : memref<64x128xf32, #tpu.memory_space<vmem>>, vector<16xf32>,
      %gather3A_156 = tpu.vector_load_idx %arg6[%broadcast_in_dim3A_143, %get3A_14] : memref<64x512xf32, #tpu.memory_space<vmem>>[vector<16xi32>, vector<16xi32>], vector<16xf32>,
      %swap3A_157 = arith.index_cast %add3A_142 : i32 to index
      %swap3A_158 = arith.constant 48 : index
      %swap3A_159 = tpu.vector_load %arg8[%swap3A_157, %swap3A_158] {strides = array<i32>} : memref<64x128xf32, #tpu.memory_space<vmem>>, vector<16xf32>,
      tpu.vector_store %arg8[%swap3A_157, %swap3A_158], %gather3A_156 {strides = array<i32>} : memref<64x128xf32, #tpu.memory_space<vmem>>, vector<16xf32>,
      %gather3A_160 = tpu.vector_load_idx %arg6[%broadcast_in_dim3A_143, %get3A_16] : memref<64x512xf32, #tpu.memory_space<vmem>>[vector<16xi32>, vector<16xi32>], vector<16xf32>,
      %swap3A_161 = arith.index_cast %add3A_142 : i32 to index
      %swap3A_162 = arith.constant 64 : index
      %swap3A_163 = tpu.vector_load %arg8[%swap3A_161, %swap3A_162] {strides = array<i32>} : memref<64x128xf32, #tpu.memory_space<vmem>>, vector<16xf32>,
      tpu.vector_store %arg8[%swap3A_161, %swap3A_162], %gather3A_160 {strides = array<i32>} : memref<64x128xf32, #tpu.memory_space<vmem>>, vector<16xf32>,
      %gather3A_164 = tpu.vector_load_idx %arg6[%broadcast_in_dim3A_143, %get3A_18] : memref<64x512xf32, #tpu.memory_space<vmem>>[vector<16xi32>, vector<16xi32>], vector<16xf32>,
      %swap3A_165 = arith.index_cast %add3A_142 : i32 to index
      %swap3A_166 = arith.constant 80 : index
      %swap3A_167 = tpu.vector_load %arg8[%swap3A_165, %swap3A_166] {strides = array<i32>} : memref<64x128xf32, #tpu.memory_space<vmem>>, vector<16xf32>,
      tpu.vector_store %arg8[%swap3A_165, %swap3A_166], %gather3A_164 {strides = array<i32>} : memref<64x128xf32, #tpu.memory_space<vmem>>, vector<16xf32>,
      %gather3A_168 = tpu.vector_load_idx %arg6[%broadcast_in_dim3A_143, %get3A_20] : memref<64x512xf32, #tpu.memory_space<vmem>>[vector<16xi32>, vector<16xi32>], vector<16xf32>,
      %swap3A_169 = arith.index_cast %add3A_142 : i32 to index
      %swap3A_170 = arith.constant 96 : index
      %swap3A_171 = tpu.vector_load %arg8[%swap3A_169, %swap3A_170] {strides = array<i32>} : memref<64x128xf32, #tpu.memory_space<vmem>>, vector<16xf32>,
      tpu.vector_store %arg8[%swap3A_169, %swap3A_170], %gather3A_168 {strides = array<i32>} : memref<64x128xf32, #tpu.memory_space<vmem>>, vector<16xf32>,
      %gather3A_172 = tpu.vector_load_idx %arg6[%broadcast_in_dim3A_143, %get3A_22] : memref<64x512xf32, #tpu.memory_space<vmem>>[vector<16xi32>, vector<16xi32>], vector<16xf32>,
      %swap3A_173 = arith.index_cast %add3A_142 : i32 to index
      %swap3A_174 = arith.constant 112 : index
      %swap3A_175 = tpu.vector_load %arg8[%swap3A_173, %swap3A_174] {strides = array<i32>} : memref<64x128xf32, #tpu.memory_space<vmem>>, vector<16xf32>,
      tpu.vector_store %arg8[%swap3A_173, %swap3A_174], %gather3A_172 {strides = array<i32>} : memref<64x128xf32, #tpu.memory_space<vmem>>, vector<16xf32>,
    }
    %scan3A_47 = arith.constant 64 : i32
    %mul3A_48 = arith.constant 64 : i32
    %mul3A_49 = arith.muli %add3A_28, %mul3A_48 : i32
    %add3A_50 = arith.addi %mul3A_2, %mul3A_49 : i32
    %dma_start3A_51 = arith.constant 0 : i32
    %dma_start3A_52 = tpu.memref_slice %arg4[%add3A_50, %dma_start3A_51] : memref<4096x128xf32, #tpu.memory_space<hbm>> -> memref<64x128xf32, #tpu.memory_space<hbm>>
    %dma_start3A_53 = arith.constant 0 : i32
    %dma_start3A_54 = tpu.memref_slice %arg4[%add3A_50, %dma_start3A_53] : memref<4096x128xf32, #tpu.memory_space<hbm>> -> memref<64x128xf32, #tpu.memory_space<hbm>>
    tpu.enqueue_dma source(%arg8 : memref<64x128xf32, #tpu.memory_space<vmem>>) target(%dma_start3A_54 : memref<64x128xf32, #tpu.memory_space<hbm>>) target_semaphore(%arg13 : memref<!tpu.dma_semaphore, #tpu.memory_space<semaphore_mem>>)
    %add3A_55 = arith.constant 1 : i32
    %add3A_56 = arith.addi %add3A_26, %add3A_55 : i32
    %add3A_57 = arith.constant 2 : i32
    %add3A_58 = arith.addi %add3A_56, %add3A_57 : i32
    %sub3A_59 = arith.constant 1 : i32
    %sub3A_60 = arith.subi %add3A_58, %sub3A_59 : i32
    %lt3A_61 = arith.constant 2 : i32
    %lt3A_62 = arith.cmpi slt, %sub3A_60, %lt3A_61 : i32
    %convert_element_type3A_63 = arith.extui %lt3A_62 : i1 to i32
    %cond3A_64 = arith.constant 0 : i32
    %cond3A_65 = arith.cmpi ne, %convert_element_type3A_63, %cond3A_64 : i32
    scf.if %cond3A_65 {
      %add3A_102 = arith.constant 2 : i32
      %add3A_103 = arith.addi %add3A_56, %add3A_102 : i32
      %sub3A_104 = arith.constant 1 : i32
      %sub3A_105 = arith.subi %add3A_103, %sub3A_104 : i32
      %mul3A_106 = arith.constant 64 : i32
      %mul3A_107 = arith.muli %sub3A_105, %mul3A_106 : i32
      %add3A_108 = arith.addi %mul3A_2, %mul3A_107 : i32
      %dma_start3A_109 = arith.constant 0 : i32
      %dma_start3A_110 = tpu.memref_slice %arg2[%add3A_108, %dma_start3A_109] : memref<16384x512xf32, #tpu.memory_space<hbm>> -> memref<64x512xf32, #tpu.memory_space<hbm>>
      %dma_start3A_111 = arith.constant 0 : i32
      %dma_start3A_112 = tpu.memref_slice %arg2[%add3A_108, %dma_start3A_111] : memref<16384x512xf32, #tpu.memory_space<hbm>> -> memref<64x512xf32, #tpu.memory_space<hbm>>
      tpu.enqueue_dma source(%dma_start3A_112 : memref<64x512xf32, #tpu.memory_space<hbm>>) target(%arg6 : memref<64x512xf32, #tpu.memory_space<vmem>>) target_semaphore(%arg11 : memref<!tpu.dma_semaphore, #tpu.memory_space<semaphore_mem>>)
    } else {
    }
    %add3A_66 = arith.constant 0 : i32
    %add3A_67 = arith.addi %mul3A_2, %add3A_66 : i32
    %dma_wait3A_68 = arith.constant 0 : i32
    %dma_wait3A_69 = tpu.memref_slice %arg2[%add3A_67, %dma_wait3A_68] : memref<16384x512xf32, #tpu.memory_space<hbm>> -> memref<64x512xf32, #tpu.memory_space<hbm>>
    %dma_wait3A_70 = arith.constant 0 : i32
    %dma_wait3A_71 = tpu.memref_slice %arg2[%add3A_67, %dma_wait3A_70] : memref<16384x512xf32, #tpu.memory_space<hbm>> -> memref<64x512xf32, #tpu.memory_space<hbm>>
    tpu.wait_dma2 semaphore(%arg12 : memref<!tpu.dma_semaphore, #tpu.memory_space<semaphore_mem>>) src(%dma_wait3A_71 : memref<64x512xf32, #tpu.memory_space<hbm>>) dst(%arg7 : memref<64x512xf32, #tpu.memory_space<vmem>>)
    %ge3A_72 = arith.constant 2 : i32
    %ge3A_73 = arith.cmpi sge, %add3A_56, %ge3A_72 : i32
    %convert_element_type3A_74 = arith.extui %ge3A_73 : i1 to i32
    %cond3A_75 = arith.constant 0 : i32
    %cond3A_76 = arith.cmpi ne, %convert_element_type3A_74, %cond3A_75 : i32
    scf.if %cond3A_76 {
      %add3A_102 = arith.constant 0 : i32
      %add3A_103 = arith.addi %mul3A_2, %add3A_102 : i32
      %dma_wait3A_104 = arith.constant 0 : i32
      %dma_wait3A_105 = tpu.memref_slice %arg4[%add3A_103, %dma_wait3A_104] : memref<4096x128xf32, #tpu.memory_space<hbm>> -> memref<64x128xf32, #tpu.memory_space<hbm>>
      %dma_wait3A_106 = arith.constant 0 : i32
      %dma_wait3A_107 = tpu.memref_slice %arg4[%add3A_103, %dma_wait3A_106] : memref<4096x128xf32, #tpu.memory_space<hbm>> -> memref<64x128xf32, #tpu.memory_space<hbm>>
      tpu.wait_dma2 semaphore(%arg14 : memref<!tpu.dma_semaphore, #tpu.memory_space<semaphore_mem>>) src(%arg9 : memref<64x128xf32, #tpu.memory_space<vmem>>) dst(%dma_wait3A_107 : memref<64x128xf32, #tpu.memory_space<hbm>>)
    } else {
    }
    %scan3A_77 = arith.constant 0 : i32
    %scan3A_78 = arith.constant 64 : i32
    %scan3A_79 = arith.addi %scan3A_77, %scan3A_78 : i32
    %scan3A_80 = arith.constant 2 : i32
    scf.for %scan3A_102 = %scan3A_77 to %scan3A_79 step %scan3A_80  : i32 {
      %mul3A_103 = arith.constant 1 : i32
      %mul3A_104 = arith.muli %scan3A_102, %mul3A_103 : i32
      %add3A_105 = arith.constant 0 : i32
      %add3A_106 = arith.addi %add3A_105, %mul3A_104 : i32
      %broadcast_in_dim3A = vector.broadcast %add3A_106 : i32 to vector<16xi32>
      %gather3A = tpu.vector_load_idx %arg7[%broadcast_in_dim3A, %get3A_8] : memref<64x512xf32, #tpu.memory_space<vmem>>[vector<16xi32>, vector<16xi32>], vector<16xf32>,
      %swap3A = arith.index_cast %add3A_106 : i32 to index
      %swap3A_107 = arith.constant 0 : index
      %swap3A_108 = tpu.vector_load %arg9[%swap3A, %swap3A_107] {strides = array<i32>} : memref<64x128xf32, #tpu.memory_space<vmem>>, vector<16xf32>,
      tpu.vector_store %arg9[%swap3A, %swap3A_107], %gather3A {strides = array<i32>} : memref<64x128xf32, #tpu.memory_space<vmem>>, vector<16xf32>,
      %gather3A_109 = tpu.vector_load_idx %arg7[%broadcast_in_dim3A, %get3A_10] : memref<64x512xf32, #tpu.memory_space<vmem>>[vector<16xi32>, vector<16xi32>], vector<16xf32>,
      %swap3A_110 = arith.index_cast %add3A_106 : i32 to index
      %swap3A_111 = arith.constant 16 : index
      %swap3A_112 = tpu.vector_load %arg9[%swap3A_110, %swap3A_111] {strides = array<i32>} : memref<64x128xf32, #tpu.memory_space<vmem>>, vector<16xf32>,
      tpu.vector_store %arg9[%swap3A_110, %swap3A_111], %gather3A_109 {strides = array<i32>} : memref<64x128xf32, #tpu.memory_space<vmem>>, vector<16xf32>,
      %gather3A_113 = tpu.vector_load_idx %arg7[%broadcast_in_dim3A, %get3A_12] : memref<64x512xf32, #tpu.memory_space<vmem>>[vector<16xi32>, vector<16xi32>], vector<16xf32>,
      %swap3A_114 = arith.index_cast %add3A_106 : i32 to index
      %swap3A_115 = arith.constant 32 : index
      %swap3A_116 = tpu.vector_load %arg9[%swap3A_114, %swap3A_115] {strides = array<i32>} : memref<64x128xf32, #tpu.memory_space<vmem>>, vector<16xf32>,
      tpu.vector_store %arg9[%swap3A_114, %swap3A_115], %gather3A_113 {strides = array<i32>} : memref<64x128xf32, #tpu.memory_space<vmem>>, vector<16xf32>,
      %gather3A_117 = tpu.vector_load_idx %arg7[%broadcast_in_dim3A, %get3A_14] : memref<64x512xf32, #tpu.memory_space<vmem>>[vector<16xi32>, vector<16xi32>], vector<16xf32>,
      %swap3A_118 = arith.index_cast %add3A_106 : i32 to index
      %swap3A_119 = arith.constant 48 : index
      %swap3A_120 = tpu.vector_load %arg9[%swap3A_118, %swap3A_119] {strides = array<i32>} : memref<64x128xf32, #tpu.memory_space<vmem>>, vector<16xf32>,
      tpu.vector_store %arg9[%swap3A_118, %swap3A_119], %gather3A_117 {strides = array<i32>} : memref<64x128xf32, #tpu.memory_space<vmem>>, vector<16xf32>,
      %gather3A_121 = tpu.vector_load_idx %arg7[%broadcast_in_dim3A, %get3A_16] : memref<64x512xf32, #tpu.memory_space<vmem>>[vector<16xi32>, vector<16xi32>], vector<16xf32>,
      %swap3A_122 = arith.index_cast %add3A_106 : i32 to index
      %swap3A_123 = arith.constant 64 : index
      %swap3A_124 = tpu.vector_load %arg9[%swap3A_122, %swap3A_123] {strides = array<i32>} : memref<64x128xf32, #tpu.memory_space<vmem>>, vector<16xf32>,
      tpu.vector_store %arg9[%swap3A_122, %swap3A_123], %gather3A_121 {strides = array<i32>} : memref<64x128xf32, #tpu.memory_space<vmem>>, vector<16xf32>,
      %gather3A_125 = tpu.vector_load_idx %arg7[%broadcast_in_dim3A, %get3A_18] : memref<64x512xf32, #tpu.memory_space<vmem>>[vector<16xi32>, vector<16xi32>], vector<16xf32>,
      %swap3A_126 = arith.index_cast %add3A_106 : i32 to index
      %swap3A_127 = arith.constant 80 : index
      %swap3A_128 = tpu.vector_load %arg9[%swap3A_126, %swap3A_127] {strides = array<i32>} : memref<64x128xf32, #tpu.memory_space<vmem>>, vector<16xf32>,
      tpu.vector_store %arg9[%swap3A_126, %swap3A_127], %gather3A_125 {strides = array<i32>} : memref<64x128xf32, #tpu.memory_space<vmem>>, vector<16xf32>,
      %gather3A_129 = tpu.vector_load_idx %arg7[%broadcast_in_dim3A, %get3A_20] : memref<64x512xf32, #tpu.memory_space<vmem>>[vector<16xi32>, vector<16xi32>], vector<16xf32>,
      %swap3A_130 = arith.index_cast %add3A_106 : i32 to index
      %swap3A_131 = arith.constant 96 : index
      %swap3A_132 = tpu.vector_load %arg9[%swap3A_130, %swap3A_131] {strides = array<i32>} : memref<64x128xf32, #tpu.memory_space<vmem>>, vector<16xf32>,
      tpu.vector_store %arg9[%swap3A_130, %swap3A_131], %gather3A_129 {strides = array<i32>} : memref<64x128xf32, #tpu.memory_space<vmem>>, vector<16xf32>,
      %gather3A_133 = tpu.vector_load_idx %arg7[%broadcast_in_dim3A, %get3A_22] : memref<64x512xf32, #tpu.memory_space<vmem>>[vector<16xi32>, vector<16xi32>], vector<16xf32>,
      %swap3A_134 = arith.index_cast %add3A_106 : i32 to index
      %swap3A_135 = arith.constant 112 : index
      %swap3A_136 = tpu.vector_load %arg9[%swap3A_134, %swap3A_135] {strides = array<i32>} : memref<64x128xf32, #tpu.memory_space<vmem>>, vector<16xf32>,
      tpu.vector_store %arg9[%swap3A_134, %swap3A_135], %gather3A_133 {strides = array<i32>} : memref<64x128xf32, #tpu.memory_space<vmem>>, vector<16xf32>,
      %scan3A_137 = arith.constant 1 : i32
      %scan3A_138 = arith.addi %scan3A_102, %scan3A_137 : i32
      %mul3A_139 = arith.constant 1 : i32
      %mul3A_140 = arith.muli %scan3A_138, %mul3A_139 : i32
      %add3A_141 = arith.constant 0 : i32
      %add3A_142 = arith.addi %add3A_141, %mul3A_140 : i32
      %broadcast_in_dim3A_143 = vector.broadcast %add3A_142 : i32 to vector<16xi32>
      %gather3A_144 = tpu.vector_load_idx %arg7[%broadcast_in_dim3A_143, %get3A_8] : memref<64x512xf32, #tpu.memory_space<vmem>>[vector<16xi32>, vector<16xi32>], vector<16xf32>,
      %swap3A_145 = arith.index_cast %add3A_142 : i32 to index
      %swap3A_146 = arith.constant 0 : index
      %swap3A_147 = tpu.vector_load %arg9[%swap3A_145, %swap3A_146] {strides = array<i32>} : memref<64x128xf32, #tpu.memory_space<vmem>>, vector<16xf32>,
      tpu.vector_store %arg9[%swap3A_145, %swap3A_146], %gather3A_144 {strides = array<i32>} : memref<64x128xf32, #tpu.memory_space<vmem>>, vector<16xf32>,
      %gather3A_148 = tpu.vector_load_idx %arg7[%broadcast_in_dim3A_143, %get3A_10] : memref<64x512xf32, #tpu.memory_space<vmem>>[vector<16xi32>, vector<16xi32>], vector<16xf32>,
      %swap3A_149 = arith.index_cast %add3A_142 : i32 to index
      %swap3A_150 = arith.constant 16 : index
      %swap3A_151 = tpu.vector_load %arg9[%swap3A_149, %swap3A_150] {strides = array<i32>} : memref<64x128xf32, #tpu.memory_space<vmem>>, vector<16xf32>,
      tpu.vector_store %arg9[%swap3A_149, %swap3A_150], %gather3A_148 {strides = array<i32>} : memref<64x128xf32, #tpu.memory_space<vmem>>, vector<16xf32>,
      %gather3A_152 = tpu.vector_load_idx %arg7[%broadcast_in_dim3A_143, %get3A_12] : memref<64x512xf32, #tpu.memory_space<vmem>>[vector<16xi32>, vector<16xi32>], vector<16xf32>,
      %swap3A_153 = arith.index_cast %add3A_142 : i32 to index
      %swap3A_154 = arith.constant 32 : index
      %swap3A_155 = tpu.vector_load %arg9[%swap3A_153, %swap3A_154] {strides = array<i32>} : memref<64x128xf32, #tpu.memory_space<vmem>>, vector<16xf32>,
      tpu.vector_store %arg9[%swap3A_153, %swap3A_154], %gather3A_152 {strides = array<i32>} : memref<64x128xf32, #tpu.memory_space<vmem>>, vector<16xf32>,
      %gather3A_156 = tpu.vector_load_idx %arg7[%broadcast_in_dim3A_143, %get3A_14] : memref<64x512xf32, #tpu.memory_space<vmem>>[vector<16xi32>, vector<16xi32>], vector<16xf32>,
      %swap3A_157 = arith.index_cast %add3A_142 : i32 to index
      %swap3A_158 = arith.constant 48 : index
      %swap3A_159 = tpu.vector_load %arg9[%swap3A_157, %swap3A_158] {strides = array<i32>} : memref<64x128xf32, #tpu.memory_space<vmem>>, vector<16xf32>,
      tpu.vector_store %arg9[%swap3A_157, %swap3A_158], %gather3A_156 {strides = array<i32>} : memref<64x128xf32, #tpu.memory_space<vmem>>, vector<16xf32>,
      %gather3A_160 = tpu.vector_load_idx %arg7[%broadcast_in_dim3A_143, %get3A_16] : memref<64x512xf32, #tpu.memory_space<vmem>>[vector<16xi32>, vector<16xi32>], vector<16xf32>,
      %swap3A_161 = arith.index_cast %add3A_142 : i32 to index
      %swap3A_162 = arith.constant 64 : index
      %swap3A_163 = tpu.vector_load %arg9[%swap3A_161, %swap3A_162] {strides = array<i32>} : memref<64x128xf32, #tpu.memory_space<vmem>>, vector<16xf32>,
      tpu.vector_store %arg9[%swap3A_161, %swap3A_162], %gather3A_160 {strides = array<i32>} : memref<64x128xf32, #tpu.memory_space<vmem>>, vector<16xf32>,
      %gather3A_164 = tpu.vector_load_idx %arg7[%broadcast_in_dim3A_143, %get3A_18] : memref<64x512xf32, #tpu.memory_space<vmem>>[vector<16xi32>, vector<16xi32>], vector<16xf32>,
      %swap3A_165 = arith.index_cast %add3A_142 : i32 to index
      %swap3A_166 = arith.constant 80 : index
      %swap3A_167 = tpu.vector_load %arg9[%swap3A_165, %swap3A_166] {strides = array<i32>} : memref<64x128xf32, #tpu.memory_space<vmem>>, vector<16xf32>,
      tpu.vector_store %arg9[%swap3A_165, %swap3A_166], %gather3A_164 {strides = array<i32>} : memref<64x128xf32, #tpu.memory_space<vmem>>, vector<16xf32>,
      %gather3A_168 = tpu.vector_load_idx %arg7[%broadcast_in_dim3A_143, %get3A_20] : memref<64x512xf32, #tpu.memory_space<vmem>>[vector<16xi32>, vector<16xi32>], vector<16xf32>,
      %swap3A_169 = arith.index_cast %add3A_142 : i32 to index
      %swap3A_170 = arith.constant 96 : index
      %swap3A_171 = tpu.vector_load %arg9[%swap3A_169, %swap3A_170] {strides = array<i32>} : memref<64x128xf32, #tpu.memory_space<vmem>>, vector<16xf32>,
      tpu.vector_store %arg9[%swap3A_169, %swap3A_170], %gather3A_168 {strides = array<i32>} : memref<64x128xf32, #tpu.memory_space<vmem>>, vector<16xf32>,
      %gather3A_172 = tpu.vector_load_idx %arg7[%broadcast_in_dim3A_143, %get3A_22] : memref<64x512xf32, #tpu.memory_space<vmem>>[vector<16xi32>, vector<16xi32>], vector<16xf32>,
      %swap3A_173 = arith.index_cast %add3A_142 : i32 to index
      %swap3A_174 = arith.constant 112 : index
      %swap3A_175 = tpu.vector_load %arg9[%swap3A_173, %swap3A_174] {strides = array<i32>} : memref<64x128xf32, #tpu.memory_space<vmem>>, vector<16xf32>,
      tpu.vector_store %arg9[%swap3A_173, %swap3A_174], %gather3A_172 {strides = array<i32>} : memref<64x128xf32, #tpu.memory_space<vmem>>, vector<16xf32>,
    }
    %scan3A_81 = arith.constant 64 : i32
    %mul3A_82 = arith.constant 64 : i32
    %mul3A_83 = arith.muli %add3A_56, %mul3A_82 : i32
    %add3A_84 = arith.addi %mul3A_2, %mul3A_83 : i32
    %dma_start3A_85 = arith.constant 0 : i32
    %dma_start3A_86 = tpu.memref_slice %arg4[%add3A_84, %dma_start3A_85] : memref<4096x128xf32, #tpu.memory_space<hbm>> -> memref<64x128xf32, #tpu.memory_space<hbm>>
    %dma_start3A_87 = arith.constant 0 : i32
    %dma_start3A_88 = tpu.memref_slice %arg4[%add3A_84, %dma_start3A_87] : memref<4096x128xf32, #tpu.memory_space<hbm>> -> memref<64x128xf32, #tpu.memory_space<hbm>>
    tpu.enqueue_dma source(%arg9 : memref<64x128xf32, #tpu.memory_space<vmem>>) target(%dma_start3A_88 : memref<64x128xf32, #tpu.memory_space<hbm>>) target_semaphore(%arg14 : memref<!tpu.dma_semaphore, #tpu.memory_space<semaphore_mem>>)
    %scan3A_89 = arith.constant 1 : i32
    %add3A_90 = arith.constant 0 : i32
    %add3A_91 = arith.addi %mul3A_2, %add3A_90 : i32
    %dma_wait3A_92 = arith.constant 0 : i32
    %dma_wait3A_93 = tpu.memref_slice %arg4[%add3A_91, %dma_wait3A_92] : memref<4096x128xf32, #tpu.memory_space<hbm>> -> memref<64x128xf32, #tpu.memory_space<hbm>>
    %dma_wait3A_94 = arith.constant 0 : i32
    %dma_wait3A_95 = tpu.memref_slice %arg4[%add3A_91, %dma_wait3A_94] : memref<4096x128xf32, #tpu.memory_space<hbm>> -> memref<64x128xf32, #tpu.memory_space<hbm>>
    tpu.wait_dma2 semaphore(%arg13 : memref<!tpu.dma_semaphore, #tpu.memory_space<semaphore_mem>>) src(%arg8 : memref<64x128xf32, #tpu.memory_space<vmem>>) dst(%dma_wait3A_95 : memref<64x128xf32, #tpu.memory_space<hbm>>)
    %add3A_96 = arith.constant 0 : i32
    %add3A_97 = arith.addi %mul3A_2, %add3A_96 : i32
    %dma_wait3A_98 = arith.constant 0 : i32
    %dma_wait3A_99 = tpu.memref_slice %arg4[%add3A_97, %dma_wait3A_98] : memref<4096x128xf32, #tpu.memory_space<hbm>> -> memref<64x128xf32, #tpu.memory_space<hbm>>
    %dma_wait3A_100 = arith.constant 0 : i32
    %dma_wait3A_101 = tpu.memref_slice %arg4[%add3A_97, %dma_wait3A_100] : memref<4096x128xf32, #tpu.memory_space<hbm>> -> memref<64x128xf32, #tpu.memory_space<hbm>>
    tpu.wait_dma2 semaphore(%arg14 : memref<!tpu.dma_semaphore, #tpu.memory_space<semaphore_mem>>) src(%arg9 : memref<64x128xf32, #tpu.memory_space<vmem>>) dst(%dma_wait3A_101 : memref<64x128xf32, #tpu.memory_space<hbm>>)
    return
  }
}

module attributes {stable_mosaic.version = 14 : i64} {
  func.func @_tc_body(%arg0: i32, %arg1: memref<1x128xi32, #tpu.memory_space<vmem>>, %arg2: memref<2048x512xf32, #tpu.memory_space<vmem>>, %arg3: memref<2048x128xf32, #tpu.memory_space<vmem>>) attributes {dimension_semantics = [#tpu.dimension_semantics<arbitrary>], iteration_bounds = array<i64: 6>, scalar_prefetch = 0 : i64, scratch_operands = 0 : i64, tpu.core_type = #tpu.core_type<tc>, window_params = [{pipeline_mode = #tpu.pipeline_mode<synchronous>, transform_indices = @transform_0, window_bounds = array<i64: 1, 128>}, {transform_indices = @transform_1, window_bounds = array<i64: 2048, 512>}, {transform_indices = @transform_2, window_bounds = array<i64: 2048, 128>}]} {
    %iota3A = tpu.iota {dimensions = array<i32: 0>} : vector<512x128xi32>
    %get3A = arith.constant 0 : index
    %get3A_0 = arith.constant 0 : index
    %get3A_1 = vector.load %arg1[%get3A, %get3A_0] : memref<1x128xi32, #tpu.memory_space<vmem>>, vector<1x128xi32>
    %get3A_2 = vector.shape_cast %get3A_1 : vector<1x128xi32> to vector<128xi32>
    %broadcast_in_dim3A = vector.shape_cast %get3A_2 : vector<128xi32> to vector<1x128xi32>
    %eq3A = vector.broadcast %broadcast_in_dim3A : vector<1x128xi32> to vector<512x128xi32>
    %eq3A_3 = arith.cmpi eq, %iota3A, %eq3A : vector<512x128xi32>
    %convert_element_type3A = arith.extui %eq3A_3 : vector<512x128xi1> to vector<512x128xi32>
    %convert_element_type3A_4 = arith.sitofp %convert_element_type3A : vector<512x128xi32> to vector<512x128xf32>
    %get3A_5 = arith.constant 0 : index
    %get3A_6 = arith.constant 0 : index
    %get3A_7 = vector.load %arg2[%get3A_5, %get3A_6] : memref<2048x512xf32, #tpu.memory_space<vmem>>, vector<2048x512xf32>
    %dot_general3A = arith.constant dense<0.000000e+00> : vector<2048x128xf32>
    %dot_general3A_8 = tpu.matmul %get3A_7, %convert_element_type3A_4, %dot_general3A {dimension_numbers = #tpu.dot_dimension_numbers<[1], [0], [0], [1], [0, 0, 1, 1], [], []>, transpose_lhs_hint = false} : vector<2048x512xf32>, vector<512x128xf32>, vector<2048x128xf32> -> vector<2048x128xf32>
    %swap3A = arith.constant 0 : index
    %swap3A_9 = arith.constant 0 : index
    %swap3A_10 = vector.load %arg3[%swap3A, %swap3A_9] : memref<2048x128xf32, #tpu.memory_space<vmem>>, vector<2048x128xf32>
    tpu.vector_store %arg3[%swap3A, %swap3A_9], %dot_general3A_8 {strides = array<i32>} : memref<2048x128xf32, #tpu.memory_space<vmem>>, vector<2048x128xf32>,
    return
  }
  func.func @transform_0(%arg0: i32) -> (i32, i32) {
    %c0_i32 = arith.constant 0 : i32
    %c0_i32_0 = arith.constant 0 : i32
    %c0_i32_1 = arith.constant 0 : i32
    return %c0_i32, %c0_i32_0 : i32, i32
  }
  func.func @transform_1(%arg0: i32) -> (i32, i32) {
    %add3A = arith.constant 2 : i32
    %add3A_0 = arith.addi %arg0, %add3A : i32
    %c0_i32 = arith.constant 0 : i32
    %c0_i32_1 = arith.constant 0 : i32
    return %add3A_0, %c0_i32 : i32, i32
  }
  func.func @transform_2(%arg0: i32) -> (i32, i32) {
    %add3A = arith.constant 2 : i32
    %add3A_0 = arith.addi %arg0, %add3A : i32
    %c0_i32 = arith.constant 0 : i32
    %c0_i32_1 = arith.constant 0 : i32
    return %add3A_0, %c0_i32 : i32, i32
  }
}

</mosaic_0001>

<sc_bundles>
// kernel: kernel.4.cloned.1.call-start
scs
__scs_entry_jumppad:
0x0: {  	(pc) =	sbr.rel $0x88, $3  }
0x1: {  	(tag) =	ssettag $0x0;
	lr =	simm.s32 $0x1  }
0x2: {  	[smem:$0x3F9F] =	sst lr;
	_ =	strace $0xD0000000  }
0x3: {  	_ = 	snop  }
0x4: {  	_ = 	snop  }
0x5: {  	_ = 	snop  }
0x6: {  	_ = 	snop  }
0x7: {  	_ = 	snop  }
__scs_overlays_trampoline_lowered:
0x8: {  	[smem:$0x3FAE] =	sst s0  }
0x9: {  	[smem:$0x3FAF] =	sst s1  }
0xa: {  	[smem:$0x3FB0] =	sst s2  }
0xb: {  	[smem:$0x3FB1] =	sst s3  }
0xc: {  	[smem:$0x3FB2] =	sst s4  }
0xd: {  	[smem:$0x3FB3] =	sst s5  }
0xe: {  	[smem:$0x3FB4] =	sst s6  }
0xf: {  	[smem:$0x3FB5] =	sst s7  }
0x10: {  	[smem:$0x3FB6] =	sst s8  }
0x11: {  	[smem:$0x3FB7] =	sst s9;
	s0 =	simm.s32 @!p0 $0x0  }
0x12: {  	s1 =	sld [smem:$0x3F9D];
	s0 =	simm.s32 @p0 $0x1  }
0x13: {  	[smem:$0x3FB8] =	sst s0;
	s0 =	simm.s32 @!p1 $0x0  }
0x14: {  	s2 =	sld [smem:$0x3F9C];
	s0 =	simm.s32 @p1 $0x1  }
0x15: {  	[smem:$0x3FB9] =	sst s0;
	s0 =	simm.s32 @!p2 $0x0  }
0x16: {  	s3 =	sld [smem:$0x3FDB];
	s0 =	simm.s32 @p2 $0x1  }
0x17: {  	s4 =	simm.s32 $0x1BF5;
	[smem:$0x3FBB] =	sst s0  }
0x18: {  	s0 =	sld [smem:$0x3F9E];
	_ =	swait.ge [sflag:s4], $0x0  }
0x19: {  	s7 =	sld [smem:$0x3F9F]  }
0x1a: {  	s8 =	sadd.s32 $0xFFFFE003, lr  }
0x1b: {  	s9 =	sadd.s32 $0xFFFFFEF7, lr;
	s5 =	simm.s32 $0xFFFFFFFF;
	p2 =	slt.u32 s8, $0xFFFFF086  }
0x1c: {  	p1 =	slt.u32 s9, $0xF7A;
	s5 =	simm.s32 @!p2 $0x0  }
0x1d: {  	s5 =	simm.s32 @p1 $0x1;
	p0 =	seq.s32 s7, s2  }
0x1e: {  	s7 =	smul.u32 @!p0 $0xF7A, s2;
	p2 =	seq.s32 @!p0 s5, $0x0  }
0x1f: {  	s9 =	smul.u32 $0xF7A, s1;
	s8 =	simm.s32 @!p0 $0x1BF5;
	p2 =	por !p2, p0  }
0x20: {  	[sflag:s8] =	ssyncset.s32 @!p0 $0xFFFFF086;
	s6 =	sadd.s32 @!p0 s3, s7;
	s7 =	simm.s32 @!p0 $0x108  }
0x21: {  	s3 =	sadd.s32 s3, s9;
	s6 =	sadd.s32 @!p0 $0x88, s6;
	s7 =	simm.s32 @p2 $0x1082  }
0x22: {  	[simem:s7], [sflag:s8] =	dma.local @!p0 [hbm:s6], $0xF7A  }
0x23: {  	s9 =	sor.u32 $0xD0000000, s2;
	s6 =	simm.s32 $0x108;
	_ =	swait.ge @!p0 [sflag:s8], $0x0  }
0x24: {  	s3 =	sadd.s32 $0x88, s3;
	s6 =	simm.s32 @!p1 $0x1082;
	[sflag:s4] =	ssyncset.s32 $0xFFFFF086  }
0x25: {  	[simem:s6], [sflag:s4] =	dma.local [hbm:s3], $0xF7A  }
0x26: {  	[smem:$0x3F9F] =	sst s1;
	(tag) =	ssettag s2;
	_ =	strace s9  }
0x27: {  	s1 =	sld [smem:$0x3FAF]  }
0x28: {  	s2 =	sld [smem:$0x3FB0]  }
0x29: {  	s4 =	sld [smem:$0x3FB2]  }
0x2a: {  	p0 =	seq.s32 s5, $0x0;
	s5 =	sld [smem:$0x3FB3]  }
0x2b: {  	s6 =	sld [smem:$0x3FB4]  }
0x2c: {  	s7 =	sld [smem:$0x3FB5]  }
0x2d: {  	s3 =	simm.s32 $0x108;
	s8 =	sld [smem:$0x3FB6]  }
0x2e: {  	s3 =	simm.s32 @!p0 $0x1082;
	s9 =	sld [smem:$0x3FB7]  }
0x2f: {  	lr =	sadd.s32 s0, s3;
	s0 =	sld [smem:$0x3FAE]  }
0x30: {  	s3 =	sld [smem:$0x3FB1]  }
0x31: {  	[smem:$0x3FBA] =	sst s10  }
0x32: {  	s10 =	sld [smem:$0x3FB8];
	_ =	sdelay $0x3  }
0x33: {  	p0 =	seq.s32 s10, $0x1;
	s10 =	sld [smem:$0x3FBA];
	_ =	sdelay $0x3  }
0x34: {  	[smem:$0x3FBA] =	sst s10  }
0x35: {  	s10 =	sld [smem:$0x3FB9];
	_ =	sdelay $0x3  }
0x36: {  	p1 =	seq.s32 s10, $0x1;
	s10 =	sld [smem:$0x3FBA];
	_ =	sdelay $0x3  }
0x37: {  	[smem:$0x3FBA] =	sst s10  }
0x38: {  	s10 =	sld [smem:$0x3FBB]  }
0x39: {  	_ = 	snop;
	(pc) =	sbr.ind lr, $3  }
0x3a: {  	_ = 	snop  }
0x3b: {  	_ = 	snop  }
0x3c: {  	p2 =	seq.s32 s10, $0x1;
	s10 =	sld [smem:$0x3FBA]  }
0x3d: {  	_ =	shalt  }
0x3e: {  	_ =	shalt  }
0x3f: {  	_ =	shalt  }
0x40: {  	_ =	shalt  }
0x41: {  	_ =	shalt  }
0x42: {  	_ =	shalt  }
0x43: {  	_ =	shalt  }
0x44: {  	_ =	shalt  }
0x45: {  	_ =	shalt  }
0x46: {  	_ =	shalt  }
0x47: {  	_ =	shalt  }
0x48: {  	_ =	shalt  }
0x49: {  	_ =	shalt  }
0x4a: {  	_ =	shalt  }
0x4b: {  	_ =	shalt  }
0x4c: {  	_ =	shalt  }
0x4d: {  	_ =	shalt  }
0x4e: {  	_ =	shalt  }
0x4f: {  	_ =	shalt  }
0x50: {  	_ =	shalt  }
0x51: {  	_ =	shalt  }
0x52: {  	_ =	shalt  }
0x53: {  	_ =	shalt  }
0x54: {  	_ =	shalt  }
0x55: {  	_ =	shalt  }
0x56: {  	_ =	shalt  }
0x57: {  	_ =	shalt  }
0x58: {  	_ =	shalt  }
0x59: {  	_ =	shalt  }
0x5a: {  	_ =	shalt  }
0x5b: {  	_ =	shalt  }
0x5c: {  	_ =	shalt  }
0x5d: {  	_ =	shalt  }
0x5e: {  	_ =	shalt  }
0x5f: {  	_ =	shalt  }
0x60: {  	_ =	shalt  }
0x61: {  	_ =	shalt  }
0x62: {  	_ =	shalt  }
0x63: {  	_ =	shalt  }
0x64: {  	_ =	shalt  }
0x65: {  	_ =	shalt  }
0x66: {  	_ =	shalt  }
0x67: {  	_ =	shalt  }
0x68: {  	_ =	shalt  }
0x69: {  	_ =	shalt  }
0x6a: {  	_ =	shalt  }
0x6b: {  	_ =	shalt  }
0x6c: {  	_ =	shalt  }
0x6d: {  	_ =	shalt  }
0x6e: {  	_ =	shalt  }
0x6f: {  	_ =	shalt  }
0x70: {  	_ =	shalt  }
0x71: {  	_ =	shalt  }
0x72: {  	_ =	shalt  }
0x73: {  	_ =	shalt  }
0x74: {  	_ =	shalt  }
0x75: {  	_ =	shalt  }
0x76: {  	_ =	shalt  }
0x77: {  	_ =	shalt  }
0x78: {  	_ =	shalt  }
0x79: {  	_ =	shalt  }
0x7a: {  	_ =	shalt  }
0x7b: {  	_ =	shalt  }
0x7c: {  	_ =	shalt  }
0x7d: {  	_ =	shalt  }
0x7e: {  	_ =	shalt  }
0x7f: {  	_ =	shalt  }
0x80: {  	_ =	shalt  }
0x81: {  	_ =	shalt  }
0x82: {  	_ =	shalt  }
0x83: {  	_ =	shalt  }
0x84: {  	_ =	shalt  }
0x85: {  	_ =	shalt  }
0x86: {  	_ =	shalt  }
0x87: {  	_ =	shalt  }
.Lfunc_end0:
.L_simem_size_0:
called_computation_lowered:
.L_overlay_start_0:
0x88: {  	s2 =	sld [smem:$0x3FD9]  }
0x89: {  	s3 =	sld [smem:$0x3FFE];
	_ =	sdelay $0x1  }
0x8a: {  	s1 =	srdreg.scid  }
0x8b: {  	s0 =	sand.u32 $0x1, s1  }
0x8c: {  	s17 =	sshll.u32 s0, $0xA;
	s2 =	sadd.s32 s3, s2  }
0x8d: {  	s2 =	sadd.s32 s2, s17  }
0x8e: {  	[smem:$0x3FC6] =	sst s2  }
0x8f: {  	_ = 	snop  }
0x90: {  	s2 =	sld [smem:$0x3FC9]  }
0x91: {  	s18 =	sld [smem:$0x3FC8];
	(tm) =	ssettm $0x1  }
0x92: {  	s4 =	sld [smem:$0x3FFB];
	_ =	sdelay $0x3  }
0x93: {  	_ =	strace s4  }
0x94: {  	s4 =	sld [smem:$0x3FFC];
	_ =	sdelay $0x3  }
0x95: {  	_ =	strace s4  }
0x96: {  	s4 =	sld [smem:$0x3FFD];
	_ =	sdelay $0x3  }
0x97: {  	_ =	strace s4  }
0x98: {  	_ =	strace $0x8FFFFFFF  }
0x99: {  	s19 =	sld [smem:$0x3FDB];
	_ =	sdelay $0x1  }
0x9a: {  	s5 =	simm.s32 $_scs_section_size  }
0x9b: {  	s6 =	simm.s32 $_size__tile_overlayer_lowered;
	s7 =	simm.s32 $_tile_overlayer_lowered  }
0x9c: {  	s22 =	simm.s32 $0x1BFF;
	s21 =	sshll.u32 s7, $0x1;
	s4 =	sadd.s32 s5, s19  }
0x9d: {  	s8 =	simm.s32 $0x0;
	s20 =	sshll.u32 s6, $0x1;
	s6 =	sadd.s32 s21, s4  }
0x9e: {  	[timem:s8], [sflag:s22] =	dma.local [hbm:s6], s20  }
0x9f: {  	_ =	swait.ge [sflag:s22], s20  }
0xa0: {  	s5 =	ssub.s32 $0x0, s20;
	[sflag:s22] =	ssyncset.done $0x0  }
0xa1: {  	[sflag:s22] =	ssyncadd.s32 s5;
	_ =	sdelay $0x1  }
0xa2: {  	s23 =	simm.s32 $0x1B8B  }
0xa3: {  	_ =	swait.ge [sflag:s23], $0x1  }
0xa4: {  	[sflag:s23] =	ssyncset.done $0x0  }
0xa5: {  	s25 =	simm.s32 $0x1B8E;
	s24 =	sld [smem:$0x3FFE];
	[sflag:s23] =	ssyncadd.s32 $0xFFFFFFFF  }
0xa6: {  	s26 =	simm.s32 $execute0_lowered;
	[smem:$0x3FD2] =	sst s25  }
0xa7: {  	s6 =	sshll.u32 s26, $0x1;
	_ =	strace $0x80000046;
	[dreg:$0x1] =	wrdreg $0xFFFFFFFF  }
0xa8: {  	s28 =	simm.s32 $_size_execute0_lowered;
	s4 =	sadd.s32 s4, s6;
	[dreg:$0x0] =	wrdreg $0x0  }
0xa9: {  	s6 =	sshll.u32 s28, $0x1;
	[dreg:$0x2] =	wrdreg s4  }
0xaa: {  	[dreg:$0x3] =	wrdreg s6  }
0xab: {  	[dreg:$0x4] =	wrdreg $0xC0  }
0xac: {  	_ =	task [dreg:s8], $0x5FFFF  }
0xad: {  	[dreg:$0x1] =	wrdreg $0xFFFFFFFF  }
0xae: {  	[dreg:$0x0] =	wrdreg $0x60  }
0xaf: {  	[dreg:$0x2] =	wrdreg s2  }
0xb0: {  	[dreg:$0x3] =	wrdreg s18  }
0xb1: {  	[dreg:$0x4] =	wrdreg s24  }
0xb2: {  	[dreg:$0x5] =	wrdreg $0x9  }
0xb3: {  	_ =	task.clear_ibuf [dreg:s8], $0x6FFFF;
	_ =	strace $0x90000046  }
0xb4: {  	s29 =	simm.s32 $0x9;
	_ =	strace $0x80000048  }
0xb5: {  	_ =	swait.ge [sflag:s29], $0x1  }
0xb6: {  	[sflag:s29] =	ssyncadd.s32 $0xFFFFFFFF  }
0xb7: {  	_ =	strace $0x90000048  }
0xb8: {  	_ =	sfence  }
0xb9: {  	s30 =	sld [smem:$0x0];
	_ =	sdelay $0x2  }
0xba: {  	s31 =	sshll.u32 s1, $0xD;
	s1 =	sshrl.u32 s1, $0x2  }
0xbb: {  	s3 =	sand.u32 $0x4000, s31;
	s1 =	sadd.s32 s1, s30  }
0xbc: {  	s0 =	sor.u32 s3, s0;
	s1 =	sshll.u32 s1, $0x11  }
0xbd: {  	s0 =	sor.u32 s1, s0  }
0xbe: {  	s0 =	sadd.s32 $0x8F2B, s0  }
0xbf: {  	[sflag:s0] =	ssyncadd.remote.s32 $0x1  }
0xc0: {  	_ =	sfence.sel $0xFFFF  }
0xc1: {  	[dreg:$0x0] =	wrdreg $0xFFFFFFFF;
	(pc) =	sbr.abs _section_cstart, $3  }
0xc2: {  	[dreg:$0x1] =	wrdreg $0xFFFFFFFF  }
0xc3: {  	_ =	task.clear_ibuf [dreg:s8], $0x2FFFF;
	_ =	strace $0x9FFFFFFF  }
0xc4: {  	(tm) =	ssettm $0x7FFFFFFF  }
0xc5: {  	_ =	shalt  }
tec
execute0_lowered:
.L_overlay_start_1:
0x0: {  	(tag) =	ssettag $0x1  }
0x1: {  	s5 =	rddreg [dreg:$0x0]  }
0x2: {  	s1 =	rddreg [dreg:$0x1]  }
0x3: {  	s4 =	rddreg [dreg:$0x2]  }
0x4: {  	s0 =	rddreg [dreg:$0x3];
	s6 =	srdreg.scid  }
0x5: {  	s3 =	simm.s32 $0x0;
	s2 =	stileid.u32;
	s11 =	simm.s32 $0x8080  }
0x6: {  	s12 =	simm.s32 $0x2;
	s13 =	simm.s32 $0x10080;
	s14 =	simm.s32 $0x3  }
0x7: {  	s15 =	simm.s32 $0x12080;
	s16 =	simm.s32 $0x4;
	s17 =	simm.s32 $0x5  }
0x8: {  	s18 =	simm.s32 $0x0;
	s6 =	sand.u32 $0x1, s6;
	[smem:$0x7FF] =	sst s3  }
0x9: {  	s7 =	sshll.u32 s2, $0x8;
	s8 =	sshll.u32 s6, $0x7;
	s6 =	ssub.s32 $0x2, s6  }
0xa: {  	s26 =	sadd.s32 $0x600, s4;
	s7 =	sor.u32 s8, s7;
	s28 =	sshrl.u32 s6, $0x1  }
0xb: {  	_ =	strace $0x80000047;
	s9 =	sshrl.u32 s7, $0x3;
	s10 =	ssub.s32 s6, s28  }
0xc: {  	s29 =	sshll.u32 s7, $0x6;
	s7 =	sshll.u32 s7, $0x4;
	s9 =	sor.u32 $0x8, s9  }
0xd: {  	s4 =	sadd.s32 s5, s29;
	s6 =	sadd.s32 s26, s7;
	s8 =	smax.u32 s10, $0x1  }
0xe: {  	s10 =	simm.s32 $0x1;
	s30 =	sshll.u32 s9, $0x9;
	s31 =	sshll.u32 s9, $0x7  }
0xf: {  	s9 =	simm.s32 $0x80;
	s5 =	sadd.s32 s5, s30;
	s7 =	sadd.s32 s26, s31  }
.LBB2_1:
0x10: {  	[tilespmem:s3], [sflag:$0x1] =	stream.linear.gather [hbm4b:s1+s3], $0x80, $0x38;
	[tilespmem:$0x14080] =	vst v63  }
0x11: {  	_ = 	snop  }
0x12: {  	[tilespmem:s9], [sflag:$0x2] =	stream.linear.gather [hbm4b:s4+s3], $0x8000, $0x38;
	[tilespmem:$0x14080] =	vst v63  }
0x13: {  	_ =	swait.ge [sflag:s10], $0x80  }
0x14: {  	[sflag:s10] =	ssyncset.done $0x0  }
0x15: {  	[sflag:s10] =	ssyncadd.s32 $0xFFFFFF80  }
0x16: {  	v1 =	vld [tilespmem:$0x0];
	_ =	sdelay $0x3  }
0x17: {  	v3 =	vmov s3;
	v2 =	vld [tilespmem:$0x10]  }
0x18: {  	v4 =	vshll.u32 v3, $0x9;
	v5 =	vld [tilespmem:$0x20];
	v0 =	vshll.u32 v1, $0x3  }
0x19: {  	v3 =	vshll.u32 v3, $0x7;
	v14 =	vand.u32 $0x7000, v4;
	v6 =	vld [tilespmem:$0x30];
	v0 =	vand.u32 $0xFFFFFC00, v0  }
0x1a: {  	v16 =	vand.u32 $0x300, v3;
	v8 =	vld [tilespmem:$0x40];
	v4 =	vadd.s32 v0, v14  }
0x1b: {  	v10 =	vld [tilespmem:$0x50];
	v1 =	vand.u32 $0x7F, v1;
	v3 =	vor.u32 v16, v4  }
0x1c: {  	v12 =	vld [tilespmem:$0x60];
	v4 =	vor.u32 v1, v3  }
0x1d: {  	v17 =	vld [tilespmem:$0x70];
	[tilespmem:s11], [sflag:$0x3] =	stream.linear.gather [hbm4b:s5+s3], $0x8000, $0x38  }
0x1e: {  	_ =	swait.ge [sflag:s12], $0x8000;
	v3 =	vshll.u32 v2, $0x3  }
0x1f: {  	[sflag:s12] =	ssyncset.done $0x0;
	v3 =	vand.u32 $0xFFFFFC00, v3  }
0x20: {  	[sflag:s12] =	ssyncadd.s32 $0xFFFF8000;
	v7 =	vadd.s32 v3, v14  }
0x21: {  	v2 =	vand.u32 $0x7F, v2;
	v9 =	vld.idx.msk [tilespmem:v4+s9+$0x0], $0xffff;
	v4 =	vor.u32 v16, v7  }
0x22: {  	v7 =	vor.u32 v2, v4;
	_ =	sdelay $0x1  }
0x23: {  	v4 =	vshll.u32 v5, $0x3  }
0x24: {  	s19 =	simm.s32 $0x10100;
	v4 =	vand.u32 $0xFFFFFC00, v4  }
0x25: {  	[tilespmem:s19+$0xFFFFFF80] =	vst v9;
	v9 =	vadd.s32 v4, v14  }
0x26: {  	v5 =	vand.u32 $0x7F, v5;
	v11 =	vld.idx.msk [tilespmem:v7+s9+$0x0], $0xffff;
	v7 =	vor.u32 v16, v9  }
0x27: {  	v9 =	vor.u32 v5, v7;
	_ =	sdelay $0x1  }
0x28: {  	v7 =	vshll.u32 v6, $0x3  }
0x29: {  	v7 =	vand.u32 $0xFFFFFC00, v7  }
0x2a: {  	[tilespmem:s19+$0xFFFFFF90] =	vst v11;
	v11 =	vadd.s32 v7, v14  }
0x2b: {  	v6 =	vand.u32 $0x7F, v6;
	v13 =	vld.idx.msk [tilespmem:v9+s9+$0x0], $0xffff;
	v9 =	vor.u32 v16, v11  }
0x2c: {  	v11 =	vor.u32 v6, v9;
	_ =	sdelay $0x1  }
0x2d: {  	v9 =	vshll.u32 v8, $0x3  }
0x2e: {  	v9 =	vand.u32 $0xFFFFFC00, v9  }
0x2f: {  	[tilespmem:s19+$0xFFFFFFA0] =	vst v13;
	v13 =	vadd.s32 v9, v14  }
0x30: {  	v8 =	vand.u32 $0x7F, v8;
	v15 =	vld.idx.msk [tilespmem:v11+s9+$0x0], $0xffff;
	v11 =	vor.u32 v16, v13  }
0x31: {  	v13 =	vor.u32 v8, v11;
	_ =	sdelay $0x1  }
0x32: {  	v11 =	vshll.u32 v10, $0x3  }
0x33: {  	v11 =	vand.u32 $0xFFFFFC00, v11  }
0x34: {  	[tilespmem:s19+$0xFFFFFFB0] =	vst v15;
	v15 =	vadd.s32 v11, v14  }
0x35: {  	v10 =	vand.u32 $0x7F, v10;
	v18 =	vld.idx.msk [tilespmem:v13+s9+$0x0], $0xffff;
	v13 =	vor.u32 v16, v15  }
0x36: {  	v15 =	vor.u32 v10, v13;
	_ =	sdelay $0x1  }
0x37: {  	v13 =	vshll.u32 v12, $0x3  }
0x38: {  	v13 =	vand.u32 $0xFFFFFC00, v13  }
0x39: {  	[tilespmem:s19+$0xFFFFFFC0] =	vst v18;
	v18 =	vadd.s32 v13, v14  }
0x3a: {  	v12 =	vand.u32 $0x7F, v12;
	v19 =	vld.idx.msk [tilespmem:v15+s9+$0x0], $0xffff;
	v15 =	vor.u32 v16, v18  }
0x3b: {  	v18 =	vor.u32 v12, v15;
	_ =	sdelay $0x1  }
0x3c: {  	v15 =	vshll.u32 v17, $0x3  }
0x3d: {  	v15 =	vand.u32 $0xFFFFFC00, v15  }
0x3e: {  	[tilespmem:s19+$0xFFFFFFD0] =	vst v19;
	v19 =	vadd.s32 v15, v14  }
0x3f: {  	v14 =	vand.u32 $0x7F, v17;
	v17 =	vld.idx.msk [tilespmem:v18+s9+$0x0], $0xffff;
	v16 =	vor.u32 v16, v19  }
0x40: {  	s20 =	simm.s32 $0x1;
	v16 =	vor.u32 v14, v16  }
0x41: {  	v18 =	vmov s20  }
0x42: {  	v19 =	vshll.u32 v18, $0x9  }
0x43: {  	v18 =	vshll.u32 v18, $0x7;
	v19 =	vand.u32 $0x7000, v19  }
0x44: {  	v18 =	vand.u32 $0x380, v18;
	[tilespmem:s19+$0xFFFFFFE0] =	vst v17;
	v17 =	vadd.s32 v0, v19  }
0x45: {  	v16 =	vld.idx.msk [tilespmem:v16+s9+$0x0], $0xffff;
	v17 =	vor.u32 v18, v17  }
0x46: {  	v17 =	vor.u32 v1, v17;
	_ =	sdelay $0x3  }
0x47: {  	[tilespmem:s19+$0xFFFFFFF0] =	vst v16;
	v16 =	vadd.s32 v3, v19  }
0x48: {  	v17 =	vld.idx.msk [tilespmem:v17+s9+$0x0], $0xffff;
	v16 =	vor.u32 v18, v16  }
0x49: {  	v16 =	vor.u32 v2, v16;
	_ =	sdelay $0x3  }
0x4a: {  	[tilespmem:s19+$0x0] =	vst v17;
	v17 =	vadd.s32 v4, v19  }
0x4b: {  	v16 =	vld.idx.msk [tilespmem:v16+s9+$0x0], $0xffff;
	v17 =	vor.u32 v18, v17  }
0x4c: {  	v17 =	vor.u32 v5, v17;
	_ =	sdelay $0x3  }
0x4d: {  	[tilespmem:s19+$0x10] =	vst v16;
	v16 =	vadd.s32 v7, v19  }
0x4e: {  	v17 =	vld.idx.msk [tilespmem:v17+s9+$0x0], $0xffff;
	v16 =	vor.u32 v18, v16  }
0x4f: {  	v16 =	vor.u32 v6, v16;
	_ =	sdelay $0x3  }
0x50: {  	[tilespmem:s19+$0x20] =	vst v17;
	v17 =	vadd.s32 v9, v19  }
0x51: {  	v16 =	vld.idx.msk [tilespmem:v16+s9+$0x0], $0xffff;
	v17 =	vor.u32 v18, v17  }
0x52: {  	v17 =	vor.u32 v8, v17;
	_ =	sdelay $0x3  }
0x53: {  	[tilespmem:s19+$0x30] =	vst v16;
	v16 =	vadd.s32 v11, v19  }
0x54: {  	v17 =	vld.idx.msk [tilespmem:v17+s9+$0x0], $0xffff;
	v16 =	vor.u32 v18, v16  }
0x55: {  	v16 =	vor.u32 v10, v16;
	_ =	sdelay $0x3  }
0x56: {  	[tilespmem:s19+$0x40] =	vst v17;
	v17 =	vadd.s32 v13, v19  }
0x57: {  	v16 =	vld.idx.msk [tilespmem:v16+s9+$0x0], $0xffff;
	v17 =	vor.u32 v18, v17  }
0x58: {  	v17 =	vor.u32 v12, v17;
	_ =	sdelay $0x3  }
0x59: {  	v19 =	vadd.s32 v15, v19;
	[tilespmem:s19+$0x50] =	vst v16  }
0x5a: {  	v16 =	vor.u32 v18, v19;
	v17 =	vld.idx.msk [tilespmem:v17+s9+$0x0], $0xffff  }
0x5b: {  	v16 =	vor.u32 v14, v16  }
0x5c: {  	s20 =	simm.s32 $0x2  }
0x5d: {  	s21 =	simm.s32 $0x4;
	v18 =	vmov s20  }
.LBB2_2:
0x5e: {  	p0 =	slt.u32 s21, $0x3E;
	v19 =	vshll.u32 v18, $0x9  }
0x5f: {  	v18 =	vshll.u32 v18, $0x7;
	v19 =	vand.u32 $0x7000, v19;
	[tilespmem:s19+$0x60] =	vst v17  }
0x60: {  	v18 =	vand.u32 $0x300, v18;
	v17 =	vadd.s32 v0, v19;
	v16 =	vld.idx.msk [tilespmem:v16+s9+$0x0], $0xffff  }
0x61: {  	v17 =	vor.u32 v18, v17  }
0x62: {  	v17 =	vor.u32 v1, v17;
	_ =	sdelay $0x3  }
0x63: {  	[tilespmem:s19+$0x70] =	vst v16  }
0x64: {  	v16 =	vld.idx.msk [tilespmem:v17+s9+$0x0], $0xffff;
	v17 =	vadd.s32 v3, v19  }
0x65: {  	v17 =	vor.u32 v18, v17  }
0x66: {  	v17 =	vor.u32 v2, v17;
	_ =	sdelay $0x2  }
0x67: {  	s19 =	sadd.s32 $0x100, s19  }
0x68: {  	[tilespmem:s19+$0xFFFFFF80] =	vst v16  }
0x69: {  	v16 =	vld.idx.msk [tilespmem:v17+s9+$0x0], $0xffff;
	v17 =	vadd.s32 v4, v19  }
0x6a: {  	v17 =	vor.u32 v18, v17  }
0x6b: {  	v17 =	vor.u32 v5, v17;
	_ =	sdelay $0x3  }
0x6c: {  	[tilespmem:s19+$0xFFFFFF90] =	vst v16  }
0x6d: {  	v16 =	vld.idx.msk [tilespmem:v17+s9+$0x0], $0xffff;
	v17 =	vadd.s32 v7, v19  }
0x6e: {  	v17 =	vor.u32 v18, v17  }
0x6f: {  	v17 =	vor.u32 v6, v17;
	_ =	sdelay $0x3  }
0x70: {  	[tilespmem:s19+$0xFFFFFFA0] =	vst v16  }
0x71: {  	v16 =	vld.idx.msk [tilespmem:v17+s9+$0x0], $0xffff;
	v17 =	vadd.s32 v9, v19  }
0x72: {  	v17 =	vor.u32 v18, v17  }
0x73: {  	v17 =	vor.u32 v8, v17;
	_ =	sdelay $0x3  }
0x74: {  	[tilespmem:s19+$0xFFFFFFB0] =	vst v16  }
0x75: {  	v16 =	vld.idx.msk [tilespmem:v17+s9+$0x0], $0xffff;
	v17 =	vadd.s32 v11, v19  }
0x76: {  	v17 =	vor.u32 v18, v17  }
0x77: {  	v17 =	vor.u32 v10, v17;
	_ =	sdelay $0x3  }
0x78: {  	[tilespmem:s19+$0xFFFFFFC0] =	vst v16  }
0x79: {  	v16 =	vld.idx.msk [tilespmem:v17+s9+$0x0], $0xffff;
	v17 =	vadd.s32 v13, v19  }
0x7a: {  	v17 =	vor.u32 v18, v17  }
0x7b: {  	v17 =	vor.u32 v12, v17;
	_ =	sdelay $0x3  }
0x7c: {  	[tilespmem:s19+$0xFFFFFFD0] =	vst v16  }
0x7d: {  	v16 =	vld.idx.msk [tilespmem:v17+s9+$0x0], $0xffff;
	v17 =	vadd.s32 v15, v19  }
0x7e: {  	v17 =	vor.u32 v18, v17  }
0x7f: {  	v17 =	vor.u32 v14, v17  }
0x80: {  	s22 =	sadd.s32 $0x1, s20;
	s20 =	smov.u32 s21  }
0x81: {  	v18 =	vmov s22  }
0x82: {  	v19 =	vshll.u32 v18, $0x9  }
0x83: {  	v18 =	vshll.u32 v18, $0x7;
	[tilespmem:s19+$0xFFFFFFE0] =	vst v16;
	v16 =	vand.u32 $0x7000, v19  }
0x84: {  	v18 =	vand.u32 $0x380, v18;
	v17 =	vld.idx.msk [tilespmem:v17+s9+$0x0], $0xffff;
	v19 =	vadd.s32 v0, v16  }
0x85: {  	v19 =	vor.u32 v18, v19  }
0x86: {  	v19 =	vor.u32 v1, v19;
	_ =	sdelay $0x3  }
0x87: {  	[tilespmem:s19+$0xFFFFFFF0] =	vst v17  }
0x88: {  	v17 =	vld.idx.msk [tilespmem:v19+s9+$0x0], $0xffff;
	v19 =	vadd.s32 v3, v16  }
0x89: {  	v19 =	vor.u32 v18, v19  }
0x8a: {  	v19 =	vor.u32 v2, v19;
	_ =	sdelay $0x3  }
0x8b: {  	[tilespmem:s19+$0x0] =	vst v17  }
0x8c: {  	v17 =	vld.idx.msk [tilespmem:v19+s9+$0x0], $0xffff;
	v19 =	vadd.s32 v4, v16  }
0x8d: {  	v19 =	vor.u32 v18, v19  }
0x8e: {  	v19 =	vor.u32 v5, v19;
	_ =	sdelay $0x3  }
0x8f: {  	[tilespmem:s19+$0x10] =	vst v17  }
0x90: {  	v17 =	vld.idx.msk [tilespmem:v19+s9+$0x0], $0xffff;
	v19 =	vadd.s32 v7, v16  }
0x91: {  	v19 =	vor.u32 v18, v19  }
0x92: {  	v19 =	vor.u32 v6, v19;
	_ =	sdelay $0x3  }
0x93: {  	[tilespmem:s19+$0x20] =	vst v17  }
0x94: {  	v17 =	vld.idx.msk [tilespmem:v19+s9+$0x0], $0xffff;
	v19 =	vadd.s32 v9, v16  }
0x95: {  	v19 =	vor.u32 v18, v19  }
0x96: {  	v19 =	vor.u32 v8, v19;
	_ =	sdelay $0x3  }
0x97: {  	[tilespmem:s19+$0x30] =	vst v17  }
0x98: {  	v17 =	vld.idx.msk [tilespmem:v19+s9+$0x0], $0xffff;
	v19 =	vadd.s32 v11, v16  }
0x99: {  	v19 =	vor.u32 v18, v19  }
0x9a: {  	v19 =	vor.u32 v10, v19;
	_ =	sdelay $0x3  }
0x9b: {  	[tilespmem:s19+$0x40] =	vst v17  }
0x9c: {  	v17 =	vld.idx.msk [tilespmem:v19+s9+$0x0], $0xffff;
	v19 =	vadd.s32 v13, v16  }
0x9d: {  	v19 =	vor.u32 v18, v19  }
0x9e: {  	v19 =	vor.u32 v12, v19;
	_ =	sdelay $0x3  }
0x9f: {  	[tilespmem:s19+$0x50] =	vst v17  }
.Ltmp0:
0xa0: {  	v16 =	vadd.s32 v15, v16;
	v17 =	vld.idx.msk [tilespmem:v19+s9+$0x0], $0xffff;
	(pc) =	sbr.rel @p0 .LBB2_2-.Ltmp0, $3  }
0xa1: {  	v16 =	vor.u32 v18, v16  }
0xa2: {  	v16 =	vor.u32 v14, v16;
	_ =	sdelay $0x1  }
0xa3: {  	s21 =	sadd.s32 $0x2, s21;
	v18 =	vmov s20  }
0xa4: {  	_ = 	snop  }
0xa5: {  	v19 =	vshll.u32 v18, $0x9  }
0xa6: {  	v18 =	vshll.u32 v18, $0x7;
	v19 =	vand.u32 $0x7000, v19  }
0xa7: {  	[tilespmem:s19+$0x60] =	vst v17;
	v18 =	vand.u32 $0x300, v18;
	v17 =	vadd.s32 v0, v19  }
0xa8: {  	v16 =	vld.idx.msk [tilespmem:v16+s9+$0x0], $0xffff;
	v17 =	vor.u32 v18, v17  }
0xa9: {  	v17 =	vor.u32 v1, v17;
	_ =	sdelay $0x3  }
0xaa: {  	[tilespmem:s19+$0x70] =	vst v16;
	v16 =	vadd.s32 v3, v19  }
0xab: {  	v16 =	vor.u32 v18, v16;
	v17 =	vld.idx.msk [tilespmem:v17+s9+$0x0], $0xffff  }
0xac: {  	v16 =	vor.u32 v2, v16;
	_ =	sdelay $0x2  }
0xad: {  	s29 =	sadd.s32 $0x100, s19  }
0xae: {  	[tilespmem:s29+$0xFFFFFF80] =	vst v17;
	v17 =	vadd.s32 v4, v19  }
0xaf: {  	v16 =	vld.idx.msk [tilespmem:v16+s9+$0x0], $0xffff;
	v17 =	vor.u32 v18, v17  }
0xb0: {  	v17 =	vor.u32 v5, v17;
	_ =	sdelay $0x3  }
0xb1: {  	[tilespmem:s29+$0xFFFFFF90] =	vst v16;
	v16 =	vadd.s32 v7, v19  }
0xb2: {  	v17 =	vld.idx.msk [tilespmem:v17+s9+$0x0], $0xffff;
	v16 =	vor.u32 v18, v16  }
0xb3: {  	v16 =	vor.u32 v6, v16;
	_ =	sdelay $0x3  }
0xb4: {  	[tilespmem:s29+$0xFFFFFFA0] =	vst v17;
	v17 =	vadd.s32 v9, v19  }
0xb5: {  	v16 =	vld.idx.msk [tilespmem:v16+s9+$0x0], $0xffff;
	v17 =	vor.u32 v18, v17  }
0xb6: {  	v17 =	vor.u32 v8, v17;
	_ =	sdelay $0x3  }
0xb7: {  	[tilespmem:s29+$0xFFFFFFB0] =	vst v16;
	v16 =	vadd.s32 v11, v19  }
0xb8: {  	v17 =	vld.idx.msk [tilespmem:v17+s9+$0x0], $0xffff;
	v16 =	vor.u32 v18, v16  }
0xb9: {  	v16 =	vor.u32 v10, v16;
	_ =	sdelay $0x3  }
0xba: {  	[tilespmem:s29+$0xFFFFFFC0] =	vst v17;
	v17 =	vadd.s32 v13, v19  }
0xbb: {  	v16 =	vld.idx.msk [tilespmem:v16+s9+$0x0], $0xffff;
	v17 =	vor.u32 v18, v17  }
0xbc: {  	v17 =	vor.u32 v12, v17;
	_ =	sdelay $0x3  }
0xbd: {  	[tilespmem:s29+$0xFFFFFFD0] =	vst v16;
	v16 =	vadd.s32 v15, v19  }
0xbe: {  	v17 =	vld.idx.msk [tilespmem:v17+s9+$0x0], $0xffff;
	v16 =	vor.u32 v18, v16  }
0xbf: {  	s20 =	sadd.s32 $0x1, s20;
	v16 =	vor.u32 v14, v16  }
0xc0: {  	v18 =	vmov s20  }
0xc1: {  	v19 =	vshll.u32 v18, $0x9  }
0xc2: {  	v18 =	vshll.u32 v18, $0x7;
	v19 =	vand.u32 $0x7000, v19  }
0xc3: {  	v18 =	vand.u32 $0x380, v18;
	[tilespmem:s29+$0xFFFFFFE0] =	vst v17;
	v17 =	vadd.s32 v0, v19  }
0xc4: {  	v16 =	vld.idx.msk [tilespmem:v16+s9+$0x0], $0xffff;
	v17 =	vor.u32 v18, v17  }
0xc5: {  	v17 =	vor.u32 v1, v17;
	_ =	sdelay $0x3  }
0xc6: {  	[tilespmem:s29+$0xFFFFFFF0] =	vst v16;
	v16 =	vadd.s32 v3, v19  }
0xc7: {  	v17 =	vld.idx.msk [tilespmem:v17+s9+$0x0], $0xffff;
	v16 =	vor.u32 v18, v16  }
0xc8: {  	v16 =	vor.u32 v2, v16;
	_ =	sdelay $0x3  }
0xc9: {  	[tilespmem:s29+$0x0] =	vst v17;
	v17 =	vadd.s32 v4, v19  }
0xca: {  	v16 =	vld.idx.msk [tilespmem:v16+s9+$0x0], $0xffff;
	v17 =	vor.u32 v18, v17  }
0xcb: {  	v17 =	vor.u32 v5, v17;
	_ =	sdelay $0x3  }
0xcc: {  	[tilespmem:s29+$0x10] =	vst v16;
	v16 =	vadd.s32 v7, v19  }
0xcd: {  	v17 =	vld.idx.msk [tilespmem:v17+s9+$0x0], $0xffff;
	v16 =	vor.u32 v18, v16  }
0xce: {  	v16 =	vor.u32 v6, v16;
	_ =	sdelay $0x3  }
0xcf: {  	[tilespmem:s29+$0x20] =	vst v17;
	v17 =	vadd.s32 v9, v19  }
0xd0: {  	v16 =	vld.idx.msk [tilespmem:v16+s9+$0x0], $0xffff;
	v17 =	vor.u32 v18, v17  }
0xd1: {  	v17 =	vor.u32 v8, v17;
	_ =	sdelay $0x3  }
0xd2: {  	[tilespmem:s29+$0x30] =	vst v16;
	v16 =	vadd.s32 v11, v19  }
0xd3: {  	v17 =	vld.idx.msk [tilespmem:v17+s9+$0x0], $0xffff;
	v16 =	vor.u32 v18, v16  }
0xd4: {  	v16 =	vor.u32 v10, v16;
	_ =	sdelay $0x3  }
0xd5: {  	[tilespmem:s29+$0x40] =	vst v17;
	v17 =	vadd.s32 v13, v19  }
0xd6: {  	v16 =	vld.idx.msk [tilespmem:v16+s9+$0x0], $0xffff;
	v17 =	vor.u32 v18, v17  }
0xd7: {  	v17 =	vor.u32 v12, v17;
	_ =	sdelay $0x3  }
0xd8: {  	[tilespmem:s29+$0x50] =	vst v16;
	v16 =	vadd.s32 v15, v19  }
0xd9: {  	v17 =	vld.idx.msk [tilespmem:v17+s9+$0x0], $0xffff;
	v16 =	vor.u32 v18, v16  }
0xda: {  	v16 =	vor.u32 v14, v16;
	_ =	sdelay $0x3  }
0xdb: {  	s30 =	simm.s32 $0x0;
	[tilespmem:s29+$0x60] =	vst v17  }
0xdc: {  	v17 =	vmov s30;
	v16 =	vld.idx.msk [tilespmem:v16+s9+$0x0], $0xffff  }
0xdd: {  	v18 =	vshll.u32 v17, $0x9  }
0xde: {  	v17 =	vshll.u32 v17, $0x7;
	v18 =	vand.u32 $0x7000, v18  }
0xdf: {  	v17 =	vand.u32 $0x300, v17;
	v19 =	vadd.s32 v0, v18  }
0xe0: {  	v19 =	vor.u32 v17, v19  }
0xe1: {  	[tilespmem:s29+$0x70] =	vst v16;
	v16 =	vor.u32 v1, v19  }
0xe2: {  	[hbm4b:s6+s30] =	stream.linear.scatter [tilespmem:s13], [sflag:$0x4], $0x2000, $0x38;
	[tilespmem:$0x14080] =	vst v63  }
0xe3: {  	_ =	swait.ge [sflag:s14], $0x8000  }
0xe4: {  	[sflag:s14] =	ssyncset.done $0x0  }
0xe5: {  	v19 =	vadd.s32 v3, v18;
	[sflag:s14] =	ssyncadd.s32 $0xFFFF8000  }
0xe6: {  	v19 =	vor.u32 v17, v19;
	v16 =	vld.idx.msk [tilespmem:v16+s11+$0x0], $0xffff  }
0xe7: {  	v19 =	vor.u32 v2, v19;
	_ =	sdelay $0x2  }
0xe8: {  	s19 =	simm.s32 $0x12100  }
0xe9: {  	[tilespmem:s19+$0xFFFFFF80] =	vst v16;
	v16 =	vadd.s32 v4, v18  }
0xea: {  	v19 =	vld.idx.msk [tilespmem:v19+s11+$0x0], $0xffff;
	v16 =	vor.u32 v17, v16  }
0xeb: {  	v16 =	vor.u32 v5, v16;
	_ =	sdelay $0x3  }
0xec: {  	[tilespmem:s19+$0xFFFFFF90] =	vst v19;
	v19 =	vadd.s32 v7, v18  }
0xed: {  	v16 =	vld.idx.msk [tilespmem:v16+s11+$0x0], $0xffff;
	v19 =	vor.u32 v17, v19  }
0xee: {  	v19 =	vor.u32 v6, v19;
	_ =	sdelay $0x3  }
0xef: {  	[tilespmem:s19+$0xFFFFFFA0] =	vst v16;
	v16 =	vadd.s32 v9, v18  }
0xf0: {  	v19 =	vld.idx.msk [tilespmem:v19+s11+$0x0], $0xffff;
	v16 =	vor.u32 v17, v16  }
0xf1: {  	v16 =	vor.u32 v8, v16;
	_ =	sdelay $0x3  }
0xf2: {  	[tilespmem:s19+$0xFFFFFFB0] =	vst v19;
	v19 =	vadd.s32 v11, v18  }
0xf3: {  	v16 =	vld.idx.msk [tilespmem:v16+s11+$0x0], $0xffff;
	v19 =	vor.u32 v17, v19  }
0xf4: {  	v19 =	vor.u32 v10, v19;
	_ =	sdelay $0x3  }
0xf5: {  	[tilespmem:s19+$0xFFFFFFC0] =	vst v16;
	v16 =	vadd.s32 v13, v18  }
0xf6: {  	v19 =	vld.idx.msk [tilespmem:v19+s11+$0x0], $0xffff;
	v16 =	vor.u32 v17, v16  }
0xf7: {  	v16 =	vor.u32 v12, v16;
	_ =	sdelay $0x3  }
0xf8: {  	v18 =	vadd.s32 v15, v18;
	[tilespmem:s19+$0xFFFFFFD0] =	vst v19  }
0xf9: {  	v17 =	vor.u32 v17, v18;
	v16 =	vld.idx.msk [tilespmem:v16+s11+$0x0], $0xffff  }
0xfa: {  	s31 =	simm.s32 $0x1;
	v17 =	vor.u32 v14, v17  }
0xfb: {  	v18 =	vmov s31  }
0xfc: {  	v19 =	vshll.u32 v18, $0x9  }
0xfd: {  	v18 =	vshll.u32 v18, $0x7;
	v19 =	vand.u32 $0x7000, v19  }
0xfe: {  	v18 =	vand.u32 $0x380, v18;
	[tilespmem:s19+$0xFFFFFFE0] =	vst v16;
	v16 =	vadd.s32 v0, v19  }
0xff: {  	v17 =	vld.idx.msk [tilespmem:v17+s11+$0x0], $0xffff;
	v16 =	vor.u32 v18, v16  }
0x100: {  	v16 =	vor.u32 v1, v16;
	_ =	sdelay $0x3  }
0x101: {  	[tilespmem:s19+$0xFFFFFFF0] =	vst v17;
	v17 =	vadd.s32 v3, v19  }
0x102: {  	v16 =	vld.idx.msk [tilespmem:v16+s11+$0x0], $0xffff;
	v17 =	vor.u32 v18, v17  }
0x103: {  	v17 =	vor.u32 v2, v17;
	_ =	sdelay $0x3  }
0x104: {  	[tilespmem:s19+$0x0] =	vst v16;
	v16 =	vadd.s32 v4, v19  }
0x105: {  	v17 =	vld.idx.msk [tilespmem:v17+s11+$0x0], $0xffff;
	v16 =	vor.u32 v18, v16  }
0x106: {  	v16 =	vor.u32 v5, v16;
	_ =	sdelay $0x3  }
0x107: {  	[tilespmem:s19+$0x10] =	vst v17;
	v17 =	vadd.s32 v7, v19  }
0x108: {  	v16 =	vld.idx.msk [tilespmem:v16+s11+$0x0], $0xffff;
	v17 =	vor.u32 v18, v17  }
0x109: {  	v17 =	vor.u32 v6, v17;
	_ =	sdelay $0x3  }
0x10a: {  	[tilespmem:s19+$0x20] =	vst v16;
	v16 =	vadd.s32 v9, v19  }
0x10b: {  	v17 =	vld.idx.msk [tilespmem:v17+s11+$0x0], $0xffff;
	v16 =	vor.u32 v18, v16  }
0x10c: {  	v16 =	vor.u32 v8, v16;
	_ =	sdelay $0x3  }
0x10d: {  	[tilespmem:s19+$0x30] =	vst v17;
	v17 =	vadd.s32 v11, v19  }
0x10e: {  	v16 =	vld.idx.msk [tilespmem:v16+s11+$0x0], $0xffff;
	v17 =	vor.u32 v18, v17  }
0x10f: {  	v17 =	vor.u32 v10, v17;
	_ =	sdelay $0x3  }
0x110: {  	[tilespmem:s19+$0x40] =	vst v16;
	v16 =	vadd.s32 v13, v19  }
0x111: {  	v17 =	vld.idx.msk [tilespmem:v17+s11+$0x0], $0xffff;
	v16 =	vor.u32 v18, v16  }
0x112: {  	v16 =	vor.u32 v12, v16;
	_ =	sdelay $0x3  }
0x113: {  	v19 =	vadd.s32 v15, v19;
	[tilespmem:s19+$0x50] =	vst v17  }
0x114: {  	v18 =	vor.u32 v18, v19;
	v17 =	vld.idx.msk [tilespmem:v16+s11+$0x0], $0xffff  }
0x115: {  	v16 =	vor.u32 v14, v18  }
0x116: {  	s20 =	simm.s32 $0x2  }
0x117: {  	s21 =	simm.s32 $0x4;
	v18 =	vmov s20  }
.LBB2_4:
0x118: {  	p0 =	slt.u32 s21, $0x3E;
	v19 =	vshll.u32 v18, $0x9  }
0x119: {  	v18 =	vshll.u32 v18, $0x7;
	v19 =	vand.u32 $0x7000, v19;
	[tilespmem:s19+$0x60] =	vst v17  }
0x11a: {  	v18 =	vand.u32 $0x300, v18;
	v17 =	vadd.s32 v0, v19;
	v16 =	vld.idx.msk [tilespmem:v16+s11+$0x0], $0xffff  }
0x11b: {  	v17 =	vor.u32 v18, v17  }
0x11c: {  	v17 =	vor.u32 v1, v17;
	_ =	sdelay $0x3  }
0x11d: {  	[tilespmem:s19+$0x70] =	vst v16  }
0x11e: {  	v16 =	vld.idx.msk [tilespmem:v17+s11+$0x0], $0xffff;
	v17 =	vadd.s32 v3, v19  }
0x11f: {  	v17 =	vor.u32 v18, v17  }
0x120: {  	v17 =	vor.u32 v2, v17;
	_ =	sdelay $0x2  }
0x121: {  	s19 =	sadd.s32 $0x100, s19  }
0x122: {  	[tilespmem:s19+$0xFFFFFF80] =	vst v16  }
0x123: {  	v16 =	vld.idx.msk [tilespmem:v17+s11+$0x0], $0xffff;
	v17 =	vadd.s32 v4, v19  }
0x124: {  	v17 =	vor.u32 v18, v17  }
0x125: {  	v17 =	vor.u32 v5, v17;
	_ =	sdelay $0x3  }
0x126: {  	[tilespmem:s19+$0xFFFFFF90] =	vst v16  }
0x127: {  	v16 =	vld.idx.msk [tilespmem:v17+s11+$0x0], $0xffff;
	v17 =	vadd.s32 v7, v19  }
0x128: {  	v17 =	vor.u32 v18, v17  }
0x129: {  	v17 =	vor.u32 v6, v17;
	_ =	sdelay $0x3  }
0x12a: {  	[tilespmem:s19+$0xFFFFFFA0] =	vst v16  }
0x12b: {  	v16 =	vld.idx.msk [tilespmem:v17+s11+$0x0], $0xffff;
	v17 =	vadd.s32 v9, v19  }
0x12c: {  	v17 =	vor.u32 v18, v17  }
0x12d: {  	v17 =	vor.u32 v8, v17;
	_ =	sdelay $0x3  }
0x12e: {  	[tilespmem:s19+$0xFFFFFFB0] =	vst v16  }
0x12f: {  	v16 =	vld.idx.msk [tilespmem:v17+s11+$0x0], $0xffff;
	v17 =	vadd.s32 v11, v19  }
0x130: {  	v17 =	vor.u32 v18, v17  }
0x131: {  	v17 =	vor.u32 v10, v17;
	_ =	sdelay $0x3  }
0x132: {  	[tilespmem:s19+$0xFFFFFFC0] =	vst v16  }
0x133: {  	v16 =	vld.idx.msk [tilespmem:v17+s11+$0x0], $0xffff;
	v17 =	vadd.s32 v13, v19  }
0x134: {  	v17 =	vor.u32 v18, v17  }
0x135: {  	v17 =	vor.u32 v12, v17;
	_ =	sdelay $0x3  }
0x136: {  	[tilespmem:s19+$0xFFFFFFD0] =	vst v16  }
0x137: {  	v16 =	vld.idx.msk [tilespmem:v17+s11+$0x0], $0xffff;
	v17 =	vadd.s32 v15, v19  }
0x138: {  	v17 =	vor.u32 v18, v17  }
0x139: {  	v17 =	vor.u32 v14, v17  }
0x13a: {  	s22 =	sadd.s32 $0x1, s20;
	s20 =	smov.u32 s21  }
0x13b: {  	v18 =	vmov s22  }
0x13c: {  	v19 =	vshll.u32 v18, $0x9  }
0x13d: {  	v18 =	vshll.u32 v18, $0x7;
	[tilespmem:s19+$0xFFFFFFE0] =	vst v16;
	v16 =	vand.u32 $0x7000, v19  }
0x13e: {  	v18 =	vand.u32 $0x380, v18;
	v17 =	vld.idx.msk [tilespmem:v17+s11+$0x0], $0xffff;
	v19 =	vadd.s32 v0, v16  }
0x13f: {  	v19 =	vor.u32 v18, v19  }
0x140: {  	v19 =	vor.u32 v1, v19;
	_ =	sdelay $0x3  }
0x141: {  	[tilespmem:s19+$0xFFFFFFF0] =	vst v17  }
0x142: {  	v17 =	vld.idx.msk [tilespmem:v19+s11+$0x0], $0xffff;
	v19 =	vadd.s32 v3, v16  }
0x143: {  	v19 =	vor.u32 v18, v19  }
0x144: {  	v19 =	vor.u32 v2, v19;
	_ =	sdelay $0x3  }
0x145: {  	[tilespmem:s19+$0x0] =	vst v17  }
0x146: {  	v17 =	vld.idx.msk [tilespmem:v19+s11+$0x0], $0xffff;
	v19 =	vadd.s32 v4, v16  }
0x147: {  	v19 =	vor.u32 v18, v19  }
0x148: {  	v19 =	vor.u32 v5, v19;
	_ =	sdelay $0x3  }
0x149: {  	[tilespmem:s19+$0x10] =	vst v17  }
0x14a: {  	v17 =	vld.idx.msk [tilespmem:v19+s11+$0x0], $0xffff;
	v19 =	vadd.s32 v7, v16  }
0x14b: {  	v19 =	vor.u32 v18, v19  }
0x14c: {  	v19 =	vor.u32 v6, v19;
	_ =	sdelay $0x3  }
0x14d: {  	[tilespmem:s19+$0x20] =	vst v17  }
0x14e: {  	v17 =	vld.idx.msk [tilespmem:v19+s11+$0x0], $0xffff;
	v19 =	vadd.s32 v9, v16  }
0x14f: {  	v19 =	vor.u32 v18, v19  }
0x150: {  	v19 =	vor.u32 v8, v19;
	_ =	sdelay $0x3  }
0x151: {  	[tilespmem:s19+$0x30] =	vst v17  }
0x152: {  	v17 =	vld.idx.msk [tilespmem:v19+s11+$0x0], $0xffff;
	v19 =	vadd.s32 v11, v16  }
0x153: {  	v19 =	vor.u32 v18, v19  }
0x154: {  	v19 =	vor.u32 v10, v19;
	_ =	sdelay $0x3  }
0x155: {  	[tilespmem:s19+$0x40] =	vst v17  }
0x156: {  	v17 =	vld.idx.msk [tilespmem:v19+s11+$0x0], $0xffff;
	v19 =	vadd.s32 v13, v16  }
0x157: {  	v19 =	vor.u32 v18, v19  }
0x158: {  	v19 =	vor.u32 v12, v19;
	_ =	sdelay $0x3  }
0x159: {  	[tilespmem:s19+$0x50] =	vst v17  }
.Ltmp1:
0x15a: {  	v16 =	vadd.s32 v15, v16;
	v17 =	vld.idx.msk [tilespmem:v19+s11+$0x0], $0xffff;
	(pc) =	sbr.rel @p0 .LBB2_4-.Ltmp1, $3  }
0x15b: {  	v16 =	vor.u32 v18, v16  }
0x15c: {  	v16 =	vor.u32 v14, v16;
	_ =	sdelay $0x1  }
0x15d: {  	s21 =	sadd.s32 $0x2, s21;
	v18 =	vmov s20  }
0x15e: {  	_ = 	snop  }
0x15f: {  	v19 =	vshll.u32 v18, $0x9  }
0x160: {  	v44 =	vshll.u32 v18, $0x7;
	v19 =	vand.u32 $0x7000, v19  }
0x161: {  	[tilespmem:s19+$0x60] =	vst v17;
	v18 =	vand.u32 $0x300, v44;
	v45 =	vadd.s32 v0, v19  }
0x162: {  	v16 =	vld.idx.msk [tilespmem:v16+s11+$0x0], $0xffff;
	v17 =	vor.u32 v18, v45  }
0x163: {  	v17 =	vor.u32 v1, v17;
	_ =	sdelay $0x3  }
0x164: {  	v46 =	vadd.s32 v3, v19;
	[tilespmem:s19+$0x70] =	vst v16  }
0x165: {  	v16 =	vor.u32 v18, v46;
	v17 =	vld.idx.msk [tilespmem:v17+s11+$0x0], $0xffff  }
0x166: {  	v16 =	vor.u32 v2, v16;
	_ =	sdelay $0x2  }
0x167: {  	s31 =	sadd.s32 $0x100, s19  }
0x168: {  	v47 =	vadd.s32 v4, v19;
	[tilespmem:s31+$0xFFFFFF80] =	vst v17  }
0x169: {  	v17 =	vor.u32 v18, v47;
	v16 =	vld.idx.msk [tilespmem:v16+s11+$0x0], $0xffff  }
0x16a: {  	v17 =	vor.u32 v5, v17;
	_ =	sdelay $0x3  }
0x16b: {  	v48 =	vadd.s32 v7, v19;
	[tilespmem:s31+$0xFFFFFF90] =	vst v16  }
0x16c: {  	v16 =	vor.u32 v18, v48;
	v17 =	vld.idx.msk [tilespmem:v17+s11+$0x0], $0xffff  }
0x16d: {  	v16 =	vor.u32 v6, v16;
	_ =	sdelay $0x3  }
0x16e: {  	v49 =	vadd.s32 v9, v19;
	[tilespmem:s31+$0xFFFFFFA0] =	vst v17  }
0x16f: {  	v17 =	vor.u32 v18, v49;
	v16 =	vld.idx.msk [tilespmem:v16+s11+$0x0], $0xffff  }
0x170: {  	v17 =	vor.u32 v8, v17;
	_ =	sdelay $0x3  }
0x171: {  	v50 =	vadd.s32 v11, v19;
	[tilespmem:s31+$0xFFFFFFB0] =	vst v16  }
0x172: {  	v16 =	vor.u32 v18, v50;
	v17 =	vld.idx.msk [tilespmem:v17+s11+$0x0], $0xffff  }
0x173: {  	v16 =	vor.u32 v10, v16;
	_ =	sdelay $0x3  }
0x174: {  	v51 =	vadd.s32 v13, v19;
	[tilespmem:s31+$0xFFFFFFC0] =	vst v17  }
0x175: {  	v17 =	vor.u32 v18, v51;
	v16 =	vld.idx.msk [tilespmem:v16+s11+$0x0], $0xffff  }
0x176: {  	v17 =	vor.u32 v12, v17;
	_ =	sdelay $0x3  }
0x177: {  	v52 =	vadd.s32 v15, v19;
	[tilespmem:s31+$0xFFFFFFD0] =	vst v16  }
0x178: {  	v16 =	vor.u32 v18, v52;
	v17 =	vld.idx.msk [tilespmem:v17+s11+$0x0], $0xffff  }
0x179: {  	s20 =	sadd.s32 $0x1, s20;
	v16 =	vor.u32 v14, v16  }
0x17a: {  	v53 =	vmov s20  }
0x17b: {  	v54 =	vshll.u32 v53, $0x9  }
0x17c: {  	v19 =	vand.u32 $0x7000, v54;
	v18 =	vshll.u32 v53, $0x7  }
0x17d: {  	v55 =	vadd.s32 v0, v19;
	v56 =	vand.u32 $0x380, v18;
	[tilespmem:s31+$0xFFFFFFE0] =	vst v17  }
0x17e: {  	v0 =	vor.u32 v56, v55;
	v16 =	vld.idx.msk [tilespmem:v16+s11+$0x0], $0xffff  }
0x17f: {  	v0 =	vor.u32 v1, v0;
	_ =	sdelay $0x3  }
0x180: {  	v57 =	vadd.s32 v3, v19;
	[tilespmem:s31+$0xFFFFFFF0] =	vst v16  }
0x181: {  	v1 =	vor.u32 v56, v57;
	v0 =	vld.idx.msk [tilespmem:v0+s11+$0x0], $0xffff  }
0x182: {  	v1 =	vor.u32 v2, v1;
	_ =	sdelay $0x3  }
0x183: {  	v58 =	vadd.s32 v4, v19;
	[tilespmem:s31+$0x0] =	vst v0  }
0x184: {  	v0 =	vor.u32 v56, v58;
	v1 =	vld.idx.msk [tilespmem:v1+s11+$0x0], $0xffff  }
0x185: {  	v0 =	vor.u32 v5, v0;
	_ =	sdelay $0x3  }
0x186: {  	v59 =	vadd.s32 v7, v19;
	[tilespmem:s31+$0x10] =	vst v1  }
0x187: {  	v1 =	vor.u32 v56, v59;
	v0 =	vld.idx.msk [tilespmem:v0+s11+$0x0], $0xffff  }
0x188: {  	v1 =	vor.u32 v6, v1;
	_ =	sdelay $0x3  }
0x189: {  	v60 =	vadd.s32 v9, v19;
	[tilespmem:s31+$0x20] =	vst v0  }
0x18a: {  	v0 =	vor.u32 v56, v60;
	v1 =	vld.idx.msk [tilespmem:v1+s11+$0x0], $0xffff  }
0x18b: {  	v0 =	vor.u32 v8, v0;
	_ =	sdelay $0x3  }
0x18c: {  	v61 =	vadd.s32 v11, v19;
	[tilespmem:s31+$0x30] =	vst v1  }
0x18d: {  	v1 =	vor.u32 v56, v61;
	v0 =	vld.idx.msk [tilespmem:v0+s11+$0x0], $0xffff  }
0x18e: {  	v1 =	vor.u32 v10, v1;
	_ =	sdelay $0x3  }
0x18f: {  	v62 =	vadd.s32 v13, v19;
	[tilespmem:s31+$0x40] =	vst v0  }
0x190: {  	v0 =	vor.u32 v56, v62;
	v1 =	vld.idx.msk [tilespmem:v1+s11+$0x0], $0xffff  }
0x191: {  	v0 =	vor.u32 v12, v0;
	_ =	sdelay $0x3  }
0x192: {  	v63 =	vadd.s32 v15, v19;
	[tilespmem:s31+$0x50] =	vst v1  }
0x193: {  	v1 =	vor.u32 v56, v63;
	v0 =	vld.idx.msk [tilespmem:v0+s11+$0x0], $0xffff  }
0x194: {  	v1 =	vor.u32 v14, v1;
	_ =	sdelay $0x3  }
0x195: {  	[tilespmem:s31+$0x60] =	vst v0  }
0x196: {  	v0 =	vld.idx.msk [tilespmem:v1+s11+$0x0], $0xffff;
	_ =	sdelay $0x4  }
0x197: {  	s18 =	sadd.s32 $0x1, s18;
	[tilespmem:s31+$0x70] =	vst v0  }
0x198: {  	[hbm4b:s7+s3] =	stream.linear.scatter [tilespmem:s15], [sflag:$0x5], $0x2000, $0x38;
	[tilespmem:$0x14080] =	vst v63  }
0x199: {  	p0 =	sne.s32 s18, s8;
	_ =	swait.ge [sflag:s16], $0x2000  }
.Ltmp2:
0x19a: {  	[sflag:s16] =	ssyncset.done $0x0;
	(pc) =	sbr.rel @p0 .LBB2_1-.Ltmp2, $4  }
0x19b: {  	[sflag:s16] =	ssyncadd.s32 $0xFFFFE000  }
0x19c: {  	_ =	swait.ge [sflag:s17], $0x2000  }
0x19d: {  	[sflag:s17] =	ssyncset.done $0x0  }
0x19e: {  	[sflag:s17] =	ssyncadd.s32 $0xFFFFE000  }
0x19f: {  	_ =	sfence.sel $0x180000  }
0x1a0: {  	[bflag:$0x0] =	sbarrier.arrive $0xFFFF  }
0x1a1: {  	p0 =	sne.s32 s2, $0x0;
	_ =	strace $0x90000047  }
0x1a2: {  	s0 =	sadd.s32 @!p0 $0x100000, s0;
	[bflag:$0x2] =	sbarrier.arrive $0xFFFF  }
0x1a3: {  	[sflag:s0] =	ssyncadd.tile.s32 @!p0 $0x1;
	_ =	shalt  }
.Lfunc_end2:
_tile_overlayer_lowered:
.L_overlay_start_2:
0x1a4: {  	(tag) =	ssettag $0x2  }
0x1a5: {  	s0 =	rddreg [dreg:$0x0];
	s2 =	stileid.u32  }
0x1a6: {  	s1 =	rddreg [dreg:$0x1];
	p0 =	sne.s32 s2, $0x0  }
0x1a7: {  	s3 =	rddreg [dreg:$0x2];
	[bflag:$0x3] =	sbarrier.arrive $0xFFFF;
	s2 =	simm.s32 @!p0 $0x1C06  }
0x1a8: {  	[timem:s3], [sflag:s2] =	dma.local @!p0 [hbm:s0], s1  }
0x1a9: {  	s0 =	simm.s32 @!p0 $0x6  }
0x1aa: {  	_ =	swait.ge @!p0 [sflag:s0], s1  }
0x1ab: {  	s1 =	ssub.s32 @!p0 $0x0, s1;
	[sflag:s0] =	ssyncset.done @!p0 $0x0  }
0x1ac: {  	[sflag:s0] =	ssyncadd.s32 @!p0 s1  }
0x1ad: {  	[bflag:$0x3] =	sbarrier.arrive $0xFFFF  }
0x1ae: {  	_ =	shalt  }

</sc_bundles>
